<compile_context>
chip_gen: v7x
topology: tpu7x:2x2x1
jax: 0.10.2.dev20260603
libtpu: 0.0.44.dev20260713+nightly
codegen_flags: <defaults>
</compile_context>

<pallas_src>
import jax
import jax.numpy as jnp
from jax import lax
from jax.experimental import pallas as pl
from jax.experimental.pallas import tpu as pltpu
from jax.experimental.pallas import tpu_sc as plsc

D_PAD = 128
N_TOK = 4096 * 200
_INFO = plsc.get_sparse_core_info()
NC = _INFO.num_cores
NS = _INFO.num_subcores
NW = NC * NS
GCH = 128
K = 2
CHUNK = K * GCH
N_PER_W = N_TOK // NW
STEPS = N_PER_W // CHUNK


def _embed_body(tok_hbm, tab_hbm, out_hbm, idx0, idx1, rows0, rows1,
                isem0, isem1, gsem0, gsem1, ssem0, ssem1):
    wid = lax.axis_index("s") * NC + lax.axis_index("c")
    base = wid * N_PER_W

    bufs = ((idx0, rows0, isem0, gsem0, ssem0),
            (idx1, rows1, isem1, gsem1, ssem1))

    def fire(buf):
        idx_b, rows_b, _, gsem_b, _ = bufs[buf]
        for j in range(K):
            pltpu.async_copy(tab_hbm.at[idx_b.at[pl.ds(j * GCH, GCH)]],
                             rows_b.at[pl.ds(j * GCH, GCH)], gsem_b)

    def do_step(s, buf, wait_store_prev, fire_next, has_prefetch):
        idx_b, rows_b, isem_b, gsem_b, ssem_b = bufs[buf]
        idx_o, rows_o, isem_o, gsem_o, ssem_o = bufs[1 - buf]
        if fire_next:
            if wait_store_prev:
                pltpu.make_async_copy(rows_o, out_hbm.at[pl.ds(0, CHUNK)],
                                      ssem_o).wait()
            pltpu.make_async_copy(tok_hbm.at[pl.ds(0, CHUNK)], idx_o,
                                  isem_o).wait()
            fire(1 - buf)
        pltpu.make_async_copy(tab_hbm.at[pl.ds(0, CHUNK)], rows_b,
                              gsem_b).wait()
        if has_prefetch:
            pltpu.async_copy(tok_hbm.at[pl.ds(base + (s + 2) * CHUNK, CHUNK)],
                             idx_b, isem_b)
        pltpu.async_copy(rows_b, out_hbm.at[pl.ds(base + s * CHUNK, CHUNK)],
                         ssem_b)

    pltpu.async_copy(tok_hbm.at[pl.ds(base, CHUNK)], idx0, isem0)
    pltpu.async_copy(tok_hbm.at[pl.ds(base + CHUNK, CHUNK)], idx1, isem1)
    pltpu.make_async_copy(tok_hbm.at[pl.ds(0, CHUNK)], idx0, isem0).wait()
    fire(0)
    do_step(0, 0, False, True, True)
    do_step(1, 1, True, True, True)

    def pair(o, _):
        s = 2 * o
        do_step(s, 0, True, True, True)
        do_step(s + 1, 1, True, True, True)
        return 0

    lax.fori_loop(1, STEPS // 2 - 1, pair, 0)

    do_step(STEPS - 2, 0, True, True, False)
    do_step(STEPS - 1, 1, False, False, False)
    pltpu.make_async_copy(rows0, out_hbm.at[pl.ds(0, CHUNK)], ssem0).wait()
    pltpu.make_async_copy(rows1, out_hbm.at[pl.ds(0, CHUNK)], ssem1).wait()


@jax.jit
def kernel(tokens, W_E):
    B, S = tokens.shape
    V, D = W_E.shape
    tok1d = tokens.reshape(B * S)
    W2 = jnp.pad(W_E.T, ((0, D_PAD - D), (0, 0))).T
    mesh = plsc.VectorSubcoreMesh(core_axis_name="c", subcore_axis_name="s")
    outp = pl.kernel(
        _embed_body,
        mesh=mesh,
        out_type=jax.ShapeDtypeStruct((B * S, D_PAD), jnp.float32),
        scratch_types=[
            pltpu.VMEM((CHUNK,), jnp.int32),
            pltpu.VMEM((CHUNK,), jnp.int32),
            pltpu.VMEM((CHUNK, D_PAD), jnp.float32),
            pltpu.VMEM((CHUNK, D_PAD), jnp.float32),
            pltpu.SemaphoreType.DMA,
            pltpu.SemaphoreType.DMA,
            pltpu.SemaphoreType.DMA,
            pltpu.SemaphoreType.DMA,
            pltpu.SemaphoreType.DMA,
            pltpu.SemaphoreType.DMA,
        ],
        compiler_params=pltpu.CompilerParams(use_tc_tiling_on_sc=True),
    )(tok1d, W2)
    return outp[:, :D].reshape(B, S, D)

# --- scband reference (transcript-rebuilt; emitter-appended) ---
"""Pipeline reference for scband-embed-54365696032808 (READ-ONLY COPY).

The authoritative reference and input builder live on the scoring server;
editing this copy changes nothing except your own understanding.
"""

import jax, jax.numpy as jnp
import numpy as np

D_VOCAB = 1000000
D_MODEL = 64


def setup_inputs(seed: int = 0) -> dict:
    key = jax.random.key(seed)
    k_tok, k_w = jax.random.split(key)
    tokens = jax.random.randint(k_tok, (4096, 200), 0, D_VOCAB, dtype=jnp.int64) if jax.config.jax_enable_x64 else jax.random.randint(k_tok, (4096, 200), 0, D_VOCAB, dtype=jnp.int32)
    W_E = jax.random.normal(k_w, (D_VOCAB, D_MODEL), dtype=jnp.float32) * 0.02
    return {"tokens": tokens, "W_E": W_E}


def reference(tokens, W_E):
    # Embed.forward: self.W_E[tokens, :]
    return jnp.take(W_E, tokens, axis=0)

if __name__ == "__main__":
    import jax
    _d = setup_inputs()
    print(jax.jit(kernel)(*tuple(_d.values())))

</pallas_src>

<mosaic_0001>
#map = affine_map<(d0, d1) -> (0)>
#map1 = affine_map<(d0, d1) -> (0, 0)>
module attributes {stable_mosaic.version = 14 : i64} {
  func.func @_embed_body(%arg0: i32, %arg1: i32, %arg2: memref<819200xi32, #tpu.memory_space<hbm>>, %arg3: memref<1000000x128xf32, #tpu.memory_space<hbm>>, %arg4: memref<819200x128xf32, #tpu.memory_space<hbm>>, %arg5: memref<256xi32, #tpu.memory_space<vmem>>, %arg6: memref<256xi32, #tpu.memory_space<vmem>>, %arg7: memref<256x128xf32, #tpu.memory_space<vmem>>, %arg8: memref<256x128xf32, #tpu.memory_space<vmem>>, %arg9: memref<!tpu.dma_semaphore, #tpu.memory_space<semaphore_mem>>, %arg10: memref<!tpu.dma_semaphore, #tpu.memory_space<semaphore_mem>>, %arg11: memref<!tpu.dma_semaphore, #tpu.memory_space<semaphore_mem>>, %arg12: memref<!tpu.dma_semaphore, #tpu.memory_space<semaphore_mem>>, %arg13: memref<!tpu.dma_semaphore, #tpu.memory_space<semaphore_mem>>, %arg14: memref<!tpu.dma_semaphore, #tpu.memory_space<semaphore_mem>>) attributes {dimension_semantics = [#tpu.dimension_semantics<core_parallel>, #tpu.dimension_semantics<subcore_parallel>], iteration_bounds = array<i64: 2, 16>, scalar_prefetch = 0 : i64, scratch_operands = 10 : i64, tpu.core_type = #tpu.core_type<sc_vector_subcore>, window_params = [{transform_indices = #map}, {transform_indices = #map1}, {transform_indices = #map1}]} {
    %mul3A = arith.constant 2 : i32
    %mul3A_0 = arith.muli %arg1, %mul3A : i32
    %add3A = arith.addi %mul3A_0, %arg0 : i32
    %mul3A_1 = arith.constant 25600 : i32
    %mul3A_2 = arith.muli %add3A, %mul3A_1 : i32
    %dma_start3A = tpu.memref_slice %arg2[%mul3A_2] : memref<819200xi32, #tpu.memory_space<hbm>> -> memref<256xi32, #tpu.memory_space<hbm>>
    %dma_start3A_3 = tpu.memref_slice %arg2[%mul3A_2] : memref<819200xi32, #tpu.memory_space<hbm>> -> memref<256xi32, #tpu.memory_space<hbm>>
    tpu.enqueue_dma source(%dma_start3A_3 : memref<256xi32, #tpu.memory_space<hbm>>) target(%arg5 : memref<256xi32, #tpu.memory_space<vmem>>) target_semaphore(%arg9 : memref<!tpu.dma_semaphore, #tpu.memory_space<semaphore_mem>>)
    %add3A_4 = arith.constant 256 : i32
    %add3A_5 = arith.addi %mul3A_2, %add3A_4 : i32
    %dma_start3A_6 = tpu.memref_slice %arg2[%add3A_5] : memref<819200xi32, #tpu.memory_space<hbm>> -> memref<256xi32, #tpu.memory_space<hbm>>
    %dma_start3A_7 = tpu.memref_slice %arg2[%add3A_5] : memref<819200xi32, #tpu.memory_space<hbm>> -> memref<256xi32, #tpu.memory_space<hbm>>
    tpu.enqueue_dma source(%dma_start3A_7 : memref<256xi32, #tpu.memory_space<hbm>>) target(%arg6 : memref<256xi32, #tpu.memory_space<vmem>>) target_semaphore(%arg10 : memref<!tpu.dma_semaphore, #tpu.memory_space<semaphore_mem>>)
    %dma_wait3A = arith.constant 0 : i32
    %dma_wait3A_8 = tpu.memref_slice %arg2[%dma_wait3A] : memref<819200xi32, #tpu.memory_space<hbm>> -> memref<256xi32, #tpu.memory_space<hbm>>
    %dma_wait3A_9 = arith.constant 0 : i32
    %dma_wait3A_10 = tpu.memref_slice %arg2[%dma_wait3A_9] : memref<819200xi32, #tpu.memory_space<hbm>> -> memref<256xi32, #tpu.memory_space<hbm>>
    tpu.wait_dma2 semaphore(%arg9 : memref<!tpu.dma_semaphore, #tpu.memory_space<semaphore_mem>>) src(%dma_wait3A_10 : memref<256xi32, #tpu.memory_space<hbm>>) dst(%arg5 : memref<256xi32, #tpu.memory_space<vmem>>)
    %dma_start3A_11 = arith.constant 0 : i32
    %dma_start3A_12 = arith.constant 0 : i32
    %dma_start3A_13 = tpu.memref_slice %arg7[%dma_start3A_11, %dma_start3A_12] : memref<256x128xf32, #tpu.memory_space<vmem>> -> memref<128x128xf32, #tpu.memory_space<vmem>>
    %dma_start3A_14 = arith.constant 0 : i32
    %dma_start3A_15 = tpu.memref_slice %arg5[%dma_start3A_14] : memref<256xi32, #tpu.memory_space<vmem>> -> memref<128xi32, #tpu.memory_space<vmem>>
    %dma_start3A_16 = arith.constant 0 : i32
    %dma_start3A_17 = arith.constant 0 : i32
    %dma_start3A_18 = tpu.memref_slice %arg3[%dma_start3A_16, %dma_start3A_17] : memref<1000000x128xf32, #tpu.memory_space<hbm>> -> memref<1000000x128xf32, #tpu.memory_space<hbm>>
    tpu.enqueue_indirect_dma source(%dma_start3A_18 : memref<1000000x128xf32, #tpu.memory_space<hbm>>) target(%dma_start3A_13 : memref<128x128xf32, #tpu.memory_space<vmem>>) offsets(%dma_start3A_15 : memref<128xi32, #tpu.memory_space<vmem>>) semaphore(%arg11 : memref<!tpu.dma_semaphore, #tpu.memory_space<semaphore_mem>>)
    %dma_start3A_19 = arith.constant 128 : i32
    %dma_start3A_20 = arith.constant 0 : i32
    %dma_start3A_21 = tpu.memref_slice %arg7[%dma_start3A_19, %dma_start3A_20] : memref<256x128xf32, #tpu.memory_space<vmem>> -> memref<128x128xf32, #tpu.memory_space<vmem>>
    %dma_start3A_22 = arith.constant 128 : i32
    %dma_start3A_23 = tpu.memref_slice %arg5[%dma_start3A_22] : memref<256xi32, #tpu.memory_space<vmem>> -> memref<128xi32, #tpu.memory_space<vmem>>
    %dma_start3A_24 = arith.constant 0 : i32
    %dma_start3A_25 = arith.constant 0 : i32
    %dma_start3A_26 = tpu.memref_slice %arg3[%dma_start3A_24, %dma_start3A_25] : memref<1000000x128xf32, #tpu.memory_space<hbm>> -> memref<1000000x128xf32, #tpu.memory_space<hbm>>
    tpu.enqueue_indirect_dma source(%dma_start3A_26 : memref<1000000x128xf32, #tpu.memory_space<hbm>>) target(%dma_start3A_21 : memref<128x128xf32, #tpu.memory_space<vmem>>) offsets(%dma_start3A_23 : memref<128xi32, #tpu.memory_space<vmem>>) semaphore(%arg11 : memref<!tpu.dma_semaphore, #tpu.memory_space<semaphore_mem>>)
    %dma_wait3A_27 = arith.constant 0 : i32
    %dma_wait3A_28 = tpu.memref_slice %arg2[%dma_wait3A_27] : memref<819200xi32, #tpu.memory_space<hbm>> -> memref<256xi32, #tpu.memory_space<hbm>>
    %dma_wait3A_29 = arith.constant 0 : i32
    %dma_wait3A_30 = tpu.memref_slice %arg2[%dma_wait3A_29] : memref<819200xi32, #tpu.memory_space<hbm>> -> memref<256xi32, #tpu.memory_space<hbm>>
    tpu.wait_dma2 semaphore(%arg10 : memref<!tpu.dma_semaphore, #tpu.memory_space<semaphore_mem>>) src(%dma_wait3A_30 : memref<256xi32, #tpu.memory_space<hbm>>) dst(%arg6 : memref<256xi32, #tpu.memory_space<vmem>>)
    %dma_start3A_31 = arith.constant 0 : i32
    %dma_start3A_32 = arith.constant 0 : i32
    %dma_start3A_33 = tpu.memref_slice %arg8[%dma_start3A_31, %dma_start3A_32] : memref<256x128xf32, #tpu.memory_space<vmem>> -> memref<128x128xf32, #tpu.memory_space<vmem>>
    %dma_start3A_34 = arith.constant 0 : i32
    %dma_start3A_35 = tpu.memref_slice %arg6[%dma_start3A_34] : memref<256xi32, #tpu.memory_space<vmem>> -> memref<128xi32, #tpu.memory_space<vmem>>
    %dma_start3A_36 = arith.constant 0 : i32
    %dma_start3A_37 = arith.constant 0 : i32
    %dma_start3A_38 = tpu.memref_slice %arg3[%dma_start3A_36, %dma_start3A_37] : memref<1000000x128xf32, #tpu.memory_space<hbm>> -> memref<1000000x128xf32, #tpu.memory_space<hbm>>
    tpu.enqueue_indirect_dma source(%dma_start3A_38 : memref<1000000x128xf32, #tpu.memory_space<hbm>>) target(%dma_start3A_33 : memref<128x128xf32, #tpu.memory_space<vmem>>) offsets(%dma_start3A_35 : memref<128xi32, #tpu.memory_space<vmem>>) semaphore(%arg12 : memref<!tpu.dma_semaphore, #tpu.memory_space<semaphore_mem>>)
    %dma_start3A_39 = arith.constant 128 : i32
    %dma_start3A_40 = arith.constant 0 : i32
    %dma_start3A_41 = tpu.memref_slice %arg8[%dma_start3A_39, %dma_start3A_40] : memref<256x128xf32, #tpu.memory_space<vmem>> -> memref<128x128xf32, #tpu.memory_space<vmem>>
    %dma_start3A_42 = arith.constant 128 : i32
    %dma_start3A_43 = tpu.memref_slice %arg6[%dma_start3A_42] : memref<256xi32, #tpu.memory_space<vmem>> -> memref<128xi32, #tpu.memory_space<vmem>>
    %dma_start3A_44 = arith.constant 0 : i32
    %dma_start3A_45 = arith.constant 0 : i32
    %dma_start3A_46 = tpu.memref_slice %arg3[%dma_start3A_44, %dma_start3A_45] : memref<1000000x128xf32, #tpu.memory_space<hbm>> -> memref<1000000x128xf32, #tpu.memory_space<hbm>>
    tpu.enqueue_indirect_dma source(%dma_start3A_46 : memref<1000000x128xf32, #tpu.memory_space<hbm>>) target(%dma_start3A_41 : memref<128x128xf32, #tpu.memory_space<vmem>>) offsets(%dma_start3A_43 : memref<128xi32, #tpu.memory_space<vmem>>) semaphore(%arg12 : memref<!tpu.dma_semaphore, #tpu.memory_space<semaphore_mem>>)
    %dma_wait3A_47 = arith.constant 0 : i32
    %dma_wait3A_48 = arith.constant 0 : i32
    %dma_wait3A_49 = tpu.memref_slice %arg3[%dma_wait3A_47, %dma_wait3A_48] : memref<1000000x128xf32, #tpu.memory_space<hbm>> -> memref<256x128xf32, #tpu.memory_space<hbm>>
    %dma_wait3A_50 = arith.constant 0 : i32
    %dma_wait3A_51 = arith.constant 0 : i32
    %dma_wait3A_52 = tpu.memref_slice %arg3[%dma_wait3A_50, %dma_wait3A_51] : memref<1000000x128xf32, #tpu.memory_space<hbm>> -> memref<256x128xf32, #tpu.memory_space<hbm>>
    tpu.wait_dma2 semaphore(%arg11 : memref<!tpu.dma_semaphore, #tpu.memory_space<semaphore_mem>>) src(%dma_wait3A_52 : memref<256x128xf32, #tpu.memory_space<hbm>>) dst(%arg7 : memref<256x128xf32, #tpu.memory_space<vmem>>)
    %add3A_53 = arith.constant 512 : i32
    %add3A_54 = arith.addi %mul3A_2, %add3A_53 : i32
    %dma_start3A_55 = tpu.memref_slice %arg2[%add3A_54] : memref<819200xi32, #tpu.memory_space<hbm>> -> memref<256xi32, #tpu.memory_space<hbm>>
    %dma_start3A_56 = tpu.memref_slice %arg2[%add3A_54] : memref<819200xi32, #tpu.memory_space<hbm>> -> memref<256xi32, #tpu.memory_space<hbm>>
    tpu.enqueue_dma source(%dma_start3A_56 : memref<256xi32, #tpu.memory_space<hbm>>) target(%arg5 : memref<256xi32, #tpu.memory_space<vmem>>) target_semaphore(%arg9 : memref<!tpu.dma_semaphore, #tpu.memory_space<semaphore_mem>>)
    %add3A_57 = arith.constant 0 : i32
    %add3A_58 = arith.addi %mul3A_2, %add3A_57 : i32
    %dma_start3A_59 = arith.constant 0 : i32
    %dma_start3A_60 = tpu.memref_slice %arg4[%add3A_58, %dma_start3A_59] : memref<819200x128xf32, #tpu.memory_space<hbm>> -> memref<256x128xf32, #tpu.memory_space<hbm>>
    %dma_start3A_61 = arith.constant 0 : i32
    %dma_start3A_62 = tpu.memref_slice %arg4[%add3A_58, %dma_start3A_61] : memref<819200x128xf32, #tpu.memory_space<hbm>> -> memref<256x128xf32, #tpu.memory_space<hbm>>
    tpu.enqueue_dma source(%arg7 : memref<256x128xf32, #tpu.memory_space<vmem>>) target(%dma_start3A_62 : memref<256x128xf32, #tpu.memory_space<hbm>>) target_semaphore(%arg13 : memref<!tpu.dma_semaphore, #tpu.memory_space<semaphore_mem>>)
    %dma_wait3A_63 = arith.constant 0 : i32
    %dma_wait3A_64 = arith.constant 0 : i32
    %dma_wait3A_65 = tpu.memref_slice %arg4[%dma_wait3A_63, %dma_wait3A_64] : memref<819200x128xf32, #tpu.memory_space<hbm>> -> memref<256x128xf32, #tpu.memory_space<hbm>>
    %dma_wait3A_66 = arith.constant 0 : i32
    %dma_wait3A_67 = arith.constant 0 : i32
    %dma_wait3A_68 = tpu.memref_slice %arg4[%dma_wait3A_66, %dma_wait3A_67] : memref<819200x128xf32, #tpu.memory_space<hbm>> -> memref<256x128xf32, #tpu.memory_space<hbm>>
    tpu.wait_dma2 semaphore(%arg13 : memref<!tpu.dma_semaphore, #tpu.memory_space<semaphore_mem>>) src(%arg7 : memref<256x128xf32, #tpu.memory_space<vmem>>) dst(%dma_wait3A_68 : memref<256x128xf32, #tpu.memory_space<hbm>>)
    %dma_wait3A_69 = arith.constant 0 : i32
    %dma_wait3A_70 = tpu.memref_slice %arg2[%dma_wait3A_69] : memref<819200xi32, #tpu.memory_space<hbm>> -> memref<256xi32, #tpu.memory_space<hbm>>
    %dma_wait3A_71 = arith.constant 0 : i32
    %dma_wait3A_72 = tpu.memref_slice %arg2[%dma_wait3A_71] : memref<819200xi32, #tpu.memory_space<hbm>> -> memref<256xi32, #tpu.memory_space<hbm>>
    tpu.wait_dma2 semaphore(%arg9 : memref<!tpu.dma_semaphore, #tpu.memory_space<semaphore_mem>>) src(%dma_wait3A_72 : memref<256xi32, #tpu.memory_space<hbm>>) dst(%arg5 : memref<256xi32, #tpu.memory_space<vmem>>)
    %dma_start3A_73 = arith.constant 0 : i32
    %dma_start3A_74 = arith.constant 0 : i32
    %dma_start3A_75 = tpu.memref_slice %arg7[%dma_start3A_73, %dma_start3A_74] : memref<256x128xf32, #tpu.memory_space<vmem>> -> memref<128x128xf32, #tpu.memory_space<vmem>>
    %dma_start3A_76 = arith.constant 0 : i32
    %dma_start3A_77 = tpu.memref_slice %arg5[%dma_start3A_76] : memref<256xi32, #tpu.memory_space<vmem>> -> memref<128xi32, #tpu.memory_space<vmem>>
    %dma_start3A_78 = arith.constant 0 : i32
    %dma_start3A_79 = arith.constant 0 : i32
    %dma_start3A_80 = tpu.memref_slice %arg3[%dma_start3A_78, %dma_start3A_79] : memref<1000000x128xf32, #tpu.memory_space<hbm>> -> memref<1000000x128xf32, #tpu.memory_space<hbm>>
    tpu.enqueue_indirect_dma source(%dma_start3A_80 : memref<1000000x128xf32, #tpu.memory_space<hbm>>) target(%dma_start3A_75 : memref<128x128xf32, #tpu.memory_space<vmem>>) offsets(%dma_start3A_77 : memref<128xi32, #tpu.memory_space<vmem>>) semaphore(%arg11 : memref<!tpu.dma_semaphore, #tpu.memory_space<semaphore_mem>>)
    %dma_start3A_81 = arith.constant 128 : i32
    %dma_start3A_82 = arith.constant 0 : i32
    %dma_start3A_83 = tpu.memref_slice %arg7[%dma_start3A_81, %dma_start3A_82] : memref<256x128xf32, #tpu.memory_space<vmem>> -> memref<128x128xf32, #tpu.memory_space<vmem>>
    %dma_start3A_84 = arith.constant 128 : i32
    %dma_start3A_85 = tpu.memref_slice %arg5[%dma_start3A_84] : memref<256xi32, #tpu.memory_space<vmem>> -> memref<128xi32, #tpu.memory_space<vmem>>
    %dma_start3A_86 = arith.constant 0 : i32
    %dma_start3A_87 = arith.constant 0 : i32
    %dma_start3A_88 = tpu.memref_slice %arg3[%dma_start3A_86, %dma_start3A_87] : memref<1000000x128xf32, #tpu.memory_space<hbm>> -> memref<1000000x128xf32, #tpu.memory_space<hbm>>
    tpu.enqueue_indirect_dma source(%dma_start3A_88 : memref<1000000x128xf32, #tpu.memory_space<hbm>>) target(%dma_start3A_83 : memref<128x128xf32, #tpu.memory_space<vmem>>) offsets(%dma_start3A_85 : memref<128xi32, #tpu.memory_space<vmem>>) semaphore(%arg11 : memref<!tpu.dma_semaphore, #tpu.memory_space<semaphore_mem>>)
    %dma_wait3A_89 = arith.constant 0 : i32
    %dma_wait3A_90 = arith.constant 0 : i32
    %dma_wait3A_91 = tpu.memref_slice %arg3[%dma_wait3A_89, %dma_wait3A_90] : memref<1000000x128xf32, #tpu.memory_space<hbm>> -> memref<256x128xf32, #tpu.memory_space<hbm>>
    %dma_wait3A_92 = arith.constant 0 : i32
    %dma_wait3A_93 = arith.constant 0 : i32
    %dma_wait3A_94 = tpu.memref_slice %arg3[%dma_wait3A_92, %dma_wait3A_93] : memref<1000000x128xf32, #tpu.memory_space<hbm>> -> memref<256x128xf32, #tpu.memory_space<hbm>>
    tpu.wait_dma2 semaphore(%arg12 : memref<!tpu.dma_semaphore, #tpu.memory_space<semaphore_mem>>) src(%dma_wait3A_94 : memref<256x128xf32, #tpu.memory_space<hbm>>) dst(%arg8 : memref<256x128xf32, #tpu.memory_space<vmem>>)
    %add3A_95 = arith.constant 768 : i32
    %add3A_96 = arith.addi %mul3A_2, %add3A_95 : i32
    %dma_start3A_97 = tpu.memref_slice %arg2[%add3A_96] : memref<819200xi32, #tpu.memory_space<hbm>> -> memref<256xi32, #tpu.memory_space<hbm>>
    %dma_start3A_98 = tpu.memref_slice %arg2[%add3A_96] : memref<819200xi32, #tpu.memory_space<hbm>> -> memref<256xi32, #tpu.memory_space<hbm>>
    tpu.enqueue_dma source(%dma_start3A_98 : memref<256xi32, #tpu.memory_space<hbm>>) target(%arg6 : memref<256xi32, #tpu.memory_space<vmem>>) target_semaphore(%arg10 : memref<!tpu.dma_semaphore, #tpu.memory_space<semaphore_mem>>)
    %add3A_99 = arith.constant 256 : i32
    %add3A_100 = arith.addi %mul3A_2, %add3A_99 : i32
    %dma_start3A_101 = arith.constant 0 : i32
    %dma_start3A_102 = tpu.memref_slice %arg4[%add3A_100, %dma_start3A_101] : memref<819200x128xf32, #tpu.memory_space<hbm>> -> memref<256x128xf32, #tpu.memory_space<hbm>>
    %dma_start3A_103 = arith.constant 0 : i32
    %dma_start3A_104 = tpu.memref_slice %arg4[%add3A_100, %dma_start3A_103] : memref<819200x128xf32, #tpu.memory_space<hbm>> -> memref<256x128xf32, #tpu.memory_space<hbm>>
    tpu.enqueue_dma source(%arg8 : memref<256x128xf32, #tpu.memory_space<vmem>>) target(%dma_start3A_104 : memref<256x128xf32, #tpu.memory_space<hbm>>) target_semaphore(%arg14 : memref<!tpu.dma_semaphore, #tpu.memory_space<semaphore_mem>>)
    %scan3A = arith.constant 0 : i32
    %scan3A_105 = arith.constant 1 : i32
    %scan3A_106 = arith.constant 48 : i32
    %scan3A_107 = arith.addi %scan3A_105, %scan3A_106 : i32
    %scan3A_108 = arith.constant 1 : i32
    %scan3A_109 = scf.for %scan3A_173 = %scan3A_105 to %scan3A_107 step %scan3A_108 iter_args(%scan3A_174 = %scan3A) -> (i32)  : i32 {
      %mul3A_175 = arith.constant 2 : i32
      %mul3A_176 = arith.muli %mul3A_175, %scan3A_173 : i32
      %dma_wait3A_177 = arith.constant 0 : i32
      %dma_wait3A_178 = arith.constant 0 : i32
      %dma_wait3A_179 = tpu.memref_slice %arg4[%dma_wait3A_177, %dma_wait3A_178] : memref<819200x128xf32, #tpu.memory_space<hbm>> -> memref<256x128xf32, #tpu.memory_space<hbm>>
      %dma_wait3A_180 = arith.constant 0 : i32
      %dma_wait3A_181 = arith.constant 0 : i32
      %dma_wait3A_182 = tpu.memref_slice %arg4[%dma_wait3A_180, %dma_wait3A_181] : memref<819200x128xf32, #tpu.memory_space<hbm>> -> memref<256x128xf32, #tpu.memory_space<hbm>>
      tpu.wait_dma2 semaphore(%arg14 : memref<!tpu.dma_semaphore, #tpu.memory_space<semaphore_mem>>) src(%arg8 : memref<256x128xf32, #tpu.memory_space<vmem>>) dst(%dma_wait3A_182 : memref<256x128xf32, #tpu.memory_space<hbm>>)
      %dma_wait3A_183 = arith.constant 0 : i32
      %dma_wait3A_184 = tpu.memref_slice %arg2[%dma_wait3A_183] : memref<819200xi32, #tpu.memory_space<hbm>> -> memref<256xi32, #tpu.memory_space<hbm>>
      %dma_wait3A_185 = arith.constant 0 : i32
      %dma_wait3A_186 = tpu.memref_slice %arg2[%dma_wait3A_185] : memref<819200xi32, #tpu.memory_space<hbm>> -> memref<256xi32, #tpu.memory_space<hbm>>
      tpu.wait_dma2 semaphore(%arg10 : memref<!tpu.dma_semaphore, #tpu.memory_space<semaphore_mem>>) src(%dma_wait3A_186 : memref<256xi32, #tpu.memory_space<hbm>>) dst(%arg6 : memref<256xi32, #tpu.memory_space<vmem>>)
      %dma_start3A_187 = arith.constant 0 : i32
      %dma_start3A_188 = arith.constant 0 : i32
      %dma_start3A_189 = tpu.memref_slice %arg8[%dma_start3A_187, %dma_start3A_188] : memref<256x128xf32, #tpu.memory_space<vmem>> -> memref<128x128xf32, #tpu.memory_space<vmem>>
      %dma_start3A_190 = arith.constant 0 : i32
      %dma_start3A_191 = tpu.memref_slice %arg6[%dma_start3A_190] : memref<256xi32, #tpu.memory_space<vmem>> -> memref<128xi32, #tpu.memory_space<vmem>>
      %dma_start3A_192 = arith.constant 0 : i32
      %dma_start3A_193 = arith.constant 0 : i32
      %dma_start3A_194 = tpu.memref_slice %arg3[%dma_start3A_192, %dma_start3A_193] : memref<1000000x128xf32, #tpu.memory_space<hbm>> -> memref<1000000x128xf32, #tpu.memory_space<hbm>>
      tpu.enqueue_indirect_dma source(%dma_start3A_194 : memref<1000000x128xf32, #tpu.memory_space<hbm>>) target(%dma_start3A_189 : memref<128x128xf32, #tpu.memory_space<vmem>>) offsets(%dma_start3A_191 : memref<128xi32, #tpu.memory_space<vmem>>) semaphore(%arg12 : memref<!tpu.dma_semaphore, #tpu.memory_space<semaphore_mem>>)
      %dma_start3A_195 = arith.constant 128 : i32
      %dma_start3A_196 = arith.constant 0 : i32
      %dma_start3A_197 = tpu.memref_slice %arg8[%dma_start3A_195, %dma_start3A_196] : memref<256x128xf32, #tpu.memory_space<vmem>> -> memref<128x128xf32, #tpu.memory_space<vmem>>
      %dma_start3A_198 = arith.constant 128 : i32
      %dma_start3A_199 = tpu.memref_slice %arg6[%dma_start3A_198] : memref<256xi32, #tpu.memory_space<vmem>> -> memref<128xi32, #tpu.memory_space<vmem>>
      %dma_start3A_200 = arith.constant 0 : i32
      %dma_start3A_201 = arith.constant 0 : i32
      %dma_start3A_202 = tpu.memref_slice %arg3[%dma_start3A_200, %dma_start3A_201] : memref<1000000x128xf32, #tpu.memory_space<hbm>> -> memref<1000000x128xf32, #tpu.memory_space<hbm>>
      tpu.enqueue_indirect_dma source(%dma_start3A_202 : memref<1000000x128xf32, #tpu.memory_space<hbm>>) target(%dma_start3A_197 : memref<128x128xf32, #tpu.memory_space<vmem>>) offsets(%dma_start3A_199 : memref<128xi32, #tpu.memory_space<vmem>>) semaphore(%arg12 : memref<!tpu.dma_semaphore, #tpu.memory_space<semaphore_mem>>)
      %dma_wait3A_203 = arith.constant 0 : i32
      %dma_wait3A_204 = arith.constant 0 : i32
      %dma_wait3A_205 = tpu.memref_slice %arg3[%dma_wait3A_203, %dma_wait3A_204] : memref<1000000x128xf32, #tpu.memory_space<hbm>> -> memref<256x128xf32, #tpu.memory_space<hbm>>
      %dma_wait3A_206 = arith.constant 0 : i32
      %dma_wait3A_207 = arith.constant 0 : i32
      %dma_wait3A_208 = tpu.memref_slice %arg3[%dma_wait3A_206, %dma_wait3A_207] : memref<1000000x128xf32, #tpu.memory_space<hbm>> -> memref<256x128xf32, #tpu.memory_space<hbm>>
      tpu.wait_dma2 semaphore(%arg11 : memref<!tpu.dma_semaphore, #tpu.memory_space<semaphore_mem>>) src(%dma_wait3A_208 : memref<256x128xf32, #tpu.memory_space<hbm>>) dst(%arg7 : memref<256x128xf32, #tpu.memory_space<vmem>>)
      %add3A_209 = arith.constant 2 : i32
      %add3A_210 = arith.addi %mul3A_176, %add3A_209 : i32
      %mul3A_211 = arith.constant 256 : i32
      %mul3A_212 = arith.muli %add3A_210, %mul3A_211 : i32
      %add3A_213 = arith.addi %mul3A_2, %mul3A_212 : i32
      %dma_start3A_214 = tpu.memref_slice %arg2[%add3A_213] : memref<819200xi32, #tpu.memory_space<hbm>> -> memref<256xi32, #tpu.memory_space<hbm>>
      %dma_start3A_215 = tpu.memref_slice %arg2[%add3A_213] : memref<819200xi32, #tpu.memory_space<hbm>> -> memref<256xi32, #tpu.memory_space<hbm>>
      tpu.enqueue_dma source(%dma_start3A_215 : memref<256xi32, #tpu.memory_space<hbm>>) target(%arg5 : memref<256xi32, #tpu.memory_space<vmem>>) target_semaphore(%arg9 : memref<!tpu.dma_semaphore, #tpu.memory_space<semaphore_mem>>)
      %mul3A_216 = arith.constant 256 : i32
      %mul3A_217 = arith.muli %mul3A_176, %mul3A_216 : i32
      %add3A_218 = arith.addi %mul3A_2, %mul3A_217 : i32
      %dma_start3A_219 = arith.constant 0 : i32
      %dma_start3A_220 = tpu.memref_slice %arg4[%add3A_218, %dma_start3A_219] : memref<819200x128xf32, #tpu.memory_space<hbm>> -> memref<256x128xf32, #tpu.memory_space<hbm>>
      %dma_start3A_221 = arith.constant 0 : i32
      %dma_start3A_222 = tpu.memref_slice %arg4[%add3A_218, %dma_start3A_221] : memref<819200x128xf32, #tpu.memory_space<hbm>> -> memref<256x128xf32, #tpu.memory_space<hbm>>
      tpu.enqueue_dma source(%arg7 : memref<256x128xf32, #tpu.memory_space<vmem>>) target(%dma_start3A_222 : memref<256x128xf32, #tpu.memory_space<hbm>>) target_semaphore(%arg13 : memref<!tpu.dma_semaphore, #tpu.memory_space<semaphore_mem>>)
      %add3A_223 = arith.constant 1 : i32
      %add3A_224 = arith.addi %mul3A_176, %add3A_223 : i32
      %dma_wait3A_225 = arith.constant 0 : i32
      %dma_wait3A_226 = arith.constant 0 : i32
      %dma_wait3A_227 = tpu.memref_slice %arg4[%dma_wait3A_225, %dma_wait3A_226] : memref<819200x128xf32, #tpu.memory_space<hbm>> -> memref<256x128xf32, #tpu.memory_space<hbm>>
      %dma_wait3A_228 = arith.constant 0 : i32
      %dma_wait3A_229 = arith.constant 0 : i32
      %dma_wait3A_230 = tpu.memref_slice %arg4[%dma_wait3A_228, %dma_wait3A_229] : memref<819200x128xf32, #tpu.memory_space<hbm>> -> memref<256x128xf32, #tpu.memory_space<hbm>>
      tpu.wait_dma2 semaphore(%arg13 : memref<!tpu.dma_semaphore, #tpu.memory_space<semaphore_mem>>) src(%arg7 : memref<256x128xf32, #tpu.memory_space<vmem>>) dst(%dma_wait3A_230 : memref<256x128xf32, #tpu.memory_space<hbm>>)
      %dma_wait3A_231 = arith.constant 0 : i32
      %dma_wait3A_232 = tpu.memref_slice %arg2[%dma_wait3A_231] : memref<819200xi32, #tpu.memory_space<hbm>> -> memref<256xi32, #tpu.memory_space<hbm>>
      %dma_wait3A_233 = arith.constant 0 : i32
      %dma_wait3A_234 = tpu.memref_slice %arg2[%dma_wait3A_233] : memref<819200xi32, #tpu.memory_space<hbm>> -> memref<256xi32, #tpu.memory_space<hbm>>
      tpu.wait_dma2 semaphore(%arg9 : memref<!tpu.dma_semaphore, #tpu.memory_space<semaphore_mem>>) src(%dma_wait3A_234 : memref<256xi32, #tpu.memory_space<hbm>>) dst(%arg5 : memref<256xi32, #tpu.memory_space<vmem>>)
      %dma_start3A_235 = arith.constant 0 : i32
      %dma_start3A_236 = arith.constant 0 : i32
      %dma_start3A_237 = tpu.memref_slice %arg7[%dma_start3A_235, %dma_start3A_236] : memref<256x128xf32, #tpu.memory_space<vmem>> -> memref<128x128xf32, #tpu.memory_space<vmem>>
      %dma_start3A_238 = arith.constant 0 : i32
      %dma_start3A_239 = tpu.memref_slice %arg5[%dma_start3A_238] : memref<256xi32, #tpu.memory_space<vmem>> -> memref<128xi32, #tpu.memory_space<vmem>>
      %dma_start3A_240 = arith.constant 0 : i32
      %dma_start3A_241 = arith.constant 0 : i32
      %dma_start3A_242 = tpu.memref_slice %arg3[%dma_start3A_240, %dma_start3A_241] : memref<1000000x128xf32, #tpu.memory_space<hbm>> -> memref<1000000x128xf32, #tpu.memory_space<hbm>>
      tpu.enqueue_indirect_dma source(%dma_start3A_242 : memref<1000000x128xf32, #tpu.memory_space<hbm>>) target(%dma_start3A_237 : memref<128x128xf32, #tpu.memory_space<vmem>>) offsets(%dma_start3A_239 : memref<128xi32, #tpu.memory_space<vmem>>) semaphore(%arg11 : memref<!tpu.dma_semaphore, #tpu.memory_space<semaphore_mem>>)
      %dma_start3A_243 = arith.constant 128 : i32
      %dma_start3A_244 = arith.constant 0 : i32
      %dma_start3A_245 = tpu.memref_slice %arg7[%dma_start3A_243, %dma_start3A_244] : memref<256x128xf32, #tpu.memory_space<vmem>> -> memref<128x128xf32, #tpu.memory_space<vmem>>
      %dma_start3A_246 = arith.constant 128 : i32
      %dma_start3A_247 = tpu.memref_slice %arg5[%dma_start3A_246] : memref<256xi32, #tpu.memory_space<vmem>> -> memref<128xi32, #tpu.memory_space<vmem>>
      %dma_start3A_248 = arith.constant 0 : i32
      %dma_start3A_249 = arith.constant 0 : i32
      %dma_start3A_250 = tpu.memref_slice %arg3[%dma_start3A_248, %dma_start3A_249] : memref<1000000x128xf32, #tpu.memory_space<hbm>> -> memref<1000000x128xf32, #tpu.memory_space<hbm>>
      tpu.enqueue_indirect_dma source(%dma_start3A_250 : memref<1000000x128xf32, #tpu.memory_space<hbm>>) target(%dma_start3A_245 : memref<128x128xf32, #tpu.memory_space<vmem>>) offsets(%dma_start3A_247 : memref<128xi32, #tpu.memory_space<vmem>>) semaphore(%arg11 : memref<!tpu.dma_semaphore, #tpu.memory_space<semaphore_mem>>)
      %dma_wait3A_251 = arith.constant 0 : i32
      %dma_wait3A_252 = arith.constant 0 : i32
      %dma_wait3A_253 = tpu.memref_slice %arg3[%dma_wait3A_251, %dma_wait3A_252] : memref<1000000x128xf32, #tpu.memory_space<hbm>> -> memref<256x128xf32, #tpu.memory_space<hbm>>
      %dma_wait3A_254 = arith.constant 0 : i32
      %dma_wait3A_255 = arith.constant 0 : i32
      %dma_wait3A_256 = tpu.memref_slice %arg3[%dma_wait3A_254, %dma_wait3A_255] : memref<1000000x128xf32, #tpu.memory_space<hbm>> -> memref<256x128xf32, #tpu.memory_space<hbm>>
      tpu.wait_dma2 semaphore(%arg12 : memref<!tpu.dma_semaphore, #tpu.memory_space<semaphore_mem>>) src(%dma_wait3A_256 : memref<256x128xf32, #tpu.memory_space<hbm>>) dst(%arg8 : memref<256x128xf32, #tpu.memory_space<vmem>>)
      %add3A_257 = arith.constant 2 : i32
      %add3A_258 = arith.addi %add3A_224, %add3A_257 : i32
      %mul3A_259 = arith.constant 256 : i32
      %mul3A_260 = arith.muli %add3A_258, %mul3A_259 : i32
      %add3A_261 = arith.addi %mul3A_2, %mul3A_260 : i32
      %dma_start3A_262 = tpu.memref_slice %arg2[%add3A_261] : memref<819200xi32, #tpu.memory_space<hbm>> -> memref<256xi32, #tpu.memory_space<hbm>>
      %dma_start3A_263 = tpu.memref_slice %arg2[%add3A_261] : memref<819200xi32, #tpu.memory_space<hbm>> -> memref<256xi32, #tpu.memory_space<hbm>>
      tpu.enqueue_dma source(%dma_start3A_263 : memref<256xi32, #tpu.memory_space<hbm>>) target(%arg6 : memref<256xi32, #tpu.memory_space<vmem>>) target_semaphore(%arg10 : memref<!tpu.dma_semaphore, #tpu.memory_space<semaphore_mem>>)
      %mul3A_264 = arith.constant 256 : i32
      %mul3A_265 = arith.muli %add3A_224, %mul3A_264 : i32
      %add3A_266 = arith.addi %mul3A_2, %mul3A_265 : i32
      %dma_start3A_267 = arith.constant 0 : i32
      %dma_start3A_268 = tpu.memref_slice %arg4[%add3A_266, %dma_start3A_267] : memref<819200x128xf32, #tpu.memory_space<hbm>> -> memref<256x128xf32, #tpu.memory_space<hbm>>
      %dma_start3A_269 = arith.constant 0 : i32
      %dma_start3A_270 = tpu.memref_slice %arg4[%add3A_266, %dma_start3A_269] : memref<819200x128xf32, #tpu.memory_space<hbm>> -> memref<256x128xf32, #tpu.memory_space<hbm>>
      tpu.enqueue_dma source(%arg8 : memref<256x128xf32, #tpu.memory_space<vmem>>) target(%dma_start3A_270 : memref<256x128xf32, #tpu.memory_space<hbm>>) target_semaphore(%arg14 : memref<!tpu.dma_semaphore, #tpu.memory_space<semaphore_mem>>)
      %scan3A_271 = arith.constant 0 : i32
      scf.yield %scan3A_271 : i32
    }
    %scan3A_110 = arith.constant 48 : i32
    %dma_wait3A_111 = arith.constant 0 : i32
    %dma_wait3A_112 = arith.constant 0 : i32
    %dma_wait3A_113 = tpu.memref_slice %arg4[%dma_wait3A_111, %dma_wait3A_112] : memref<819200x128xf32, #tpu.memory_space<hbm>> -> memref<256x128xf32, #tpu.memory_space<hbm>>
    %dma_wait3A_114 = arith.constant 0 : i32
    %dma_wait3A_115 = arith.constant 0 : i32
    %dma_wait3A_116 = tpu.memref_slice %arg4[%dma_wait3A_114, %dma_wait3A_115] : memref<819200x128xf32, #tpu.memory_space<hbm>> -> memref<256x128xf32, #tpu.memory_space<hbm>>
    tpu.wait_dma2 semaphore(%arg14 : memref<!tpu.dma_semaphore, #tpu.memory_space<semaphore_mem>>) src(%arg8 : memref<256x128xf32, #tpu.memory_space<vmem>>) dst(%dma_wait3A_116 : memref<256x128xf32, #tpu.memory_space<hbm>>)
    %dma_wait3A_117 = arith.constant 0 : i32
    %dma_wait3A_118 = tpu.memref_slice %arg2[%dma_wait3A_117] : memref<819200xi32, #tpu.memory_space<hbm>> -> memref<256xi32, #tpu.memory_space<hbm>>
    %dma_wait3A_119 = arith.constant 0 : i32
    %dma_wait3A_120 = tpu.memref_slice %arg2[%dma_wait3A_119] : memref<819200xi32, #tpu.memory_space<hbm>> -> memref<256xi32, #tpu.memory_space<hbm>>
    tpu.wait_dma2 semaphore(%arg10 : memref<!tpu.dma_semaphore, #tpu.memory_space<semaphore_mem>>) src(%dma_wait3A_120 : memref<256xi32, #tpu.memory_space<hbm>>) dst(%arg6 : memref<256xi32, #tpu.memory_space<vmem>>)
    %dma_start3A_121 = arith.constant 0 : i32
    %dma_start3A_122 = arith.constant 0 : i32
    %dma_start3A_123 = tpu.memref_slice %arg8[%dma_start3A_121, %dma_start3A_122] : memref<256x128xf32, #tpu.memory_space<vmem>> -> memref<128x128xf32, #tpu.memory_space<vmem>>
    %dma_start3A_124 = arith.constant 0 : i32
    %dma_start3A_125 = tpu.memref_slice %arg6[%dma_start3A_124] : memref<256xi32, #tpu.memory_space<vmem>> -> memref<128xi32, #tpu.memory_space<vmem>>
    %dma_start3A_126 = arith.constant 0 : i32
    %dma_start3A_127 = arith.constant 0 : i32
    %dma_start3A_128 = tpu.memref_slice %arg3[%dma_start3A_126, %dma_start3A_127] : memref<1000000x128xf32, #tpu.memory_space<hbm>> -> memref<1000000x128xf32, #tpu.memory_space<hbm>>
    tpu.enqueue_indirect_dma source(%dma_start3A_128 : memref<1000000x128xf32, #tpu.memory_space<hbm>>) target(%dma_start3A_123 : memref<128x128xf32, #tpu.memory_space<vmem>>) offsets(%dma_start3A_125 : memref<128xi32, #tpu.memory_space<vmem>>) semaphore(%arg12 : memref<!tpu.dma_semaphore, #tpu.memory_space<semaphore_mem>>)
    %dma_start3A_129 = arith.constant 128 : i32
    %dma_start3A_130 = arith.constant 0 : i32
    %dma_start3A_131 = tpu.memref_slice %arg8[%dma_start3A_129, %dma_start3A_130] : memref<256x128xf32, #tpu.memory_space<vmem>> -> memref<128x128xf32, #tpu.memory_space<vmem>>
    %dma_start3A_132 = arith.constant 128 : i32
    %dma_start3A_133 = tpu.memref_slice %arg6[%dma_start3A_132] : memref<256xi32, #tpu.memory_space<vmem>> -> memref<128xi32, #tpu.memory_space<vmem>>
    %dma_start3A_134 = arith.constant 0 : i32
    %dma_start3A_135 = arith.constant 0 : i32
    %dma_start3A_136 = tpu.memref_slice %arg3[%dma_start3A_134, %dma_start3A_135] : memref<1000000x128xf32, #tpu.memory_space<hbm>> -> memref<1000000x128xf32, #tpu.memory_space<hbm>>
    tpu.enqueue_indirect_dma source(%dma_start3A_136 : memref<1000000x128xf32, #tpu.memory_space<hbm>>) target(%dma_start3A_131 : memref<128x128xf32, #tpu.memory_space<vmem>>) offsets(%dma_start3A_133 : memref<128xi32, #tpu.memory_space<vmem>>) semaphore(%arg12 : memref<!tpu.dma_semaphore, #tpu.memory_space<semaphore_mem>>)
    %dma_wait3A_137 = arith.constant 0 : i32
    %dma_wait3A_138 = arith.constant 0 : i32
    %dma_wait3A_139 = tpu.memref_slice %arg3[%dma_wait3A_137, %dma_wait3A_138] : memref<1000000x128xf32, #tpu.memory_space<hbm>> -> memref<256x128xf32, #tpu.memory_space<hbm>>
    %dma_wait3A_140 = arith.constant 0 : i32
    %dma_wait3A_141 = arith.constant 0 : i32
    %dma_wait3A_142 = tpu.memref_slice %arg3[%dma_wait3A_140, %dma_wait3A_141] : memref<1000000x128xf32, #tpu.memory_space<hbm>> -> memref<256x128xf32, #tpu.memory_space<hbm>>
    tpu.wait_dma2 semaphore(%arg11 : memref<!tpu.dma_semaphore, #tpu.memory_space<semaphore_mem>>) src(%dma_wait3A_142 : memref<256x128xf32, #tpu.memory_space<hbm>>) dst(%arg7 : memref<256x128xf32, #tpu.memory_space<vmem>>)
    %add3A_143 = arith.constant 25088 : i32
    %add3A_144 = arith.addi %mul3A_2, %add3A_143 : i32
    %dma_start3A_145 = arith.constant 0 : i32
    %dma_start3A_146 = tpu.memref_slice %arg4[%add3A_144, %dma_start3A_145] : memref<819200x128xf32, #tpu.memory_space<hbm>> -> memref<256x128xf32, #tpu.memory_space<hbm>>
    %dma_start3A_147 = arith.constant 0 : i32
    %dma_start3A_148 = tpu.memref_slice %arg4[%add3A_144, %dma_start3A_147] : memref<819200x128xf32, #tpu.memory_space<hbm>> -> memref<256x128xf32, #tpu.memory_space<hbm>>
    tpu.enqueue_dma source(%arg7 : memref<256x128xf32, #tpu.memory_space<vmem>>) target(%dma_start3A_148 : memref<256x128xf32, #tpu.memory_space<hbm>>) target_semaphore(%arg13 : memref<!tpu.dma_semaphore, #tpu.memory_space<semaphore_mem>>)
    %dma_wait3A_149 = arith.constant 0 : i32
    %dma_wait3A_150 = arith.constant 0 : i32
    %dma_wait3A_151 = tpu.memref_slice %arg3[%dma_wait3A_149, %dma_wait3A_150] : memref<1000000x128xf32, #tpu.memory_space<hbm>> -> memref<256x128xf32, #tpu.memory_space<hbm>>
    %dma_wait3A_152 = arith.constant 0 : i32
    %dma_wait3A_153 = arith.constant 0 : i32
    %dma_wait3A_154 = tpu.memref_slice %arg3[%dma_wait3A_152, %dma_wait3A_153] : memref<1000000x128xf32, #tpu.memory_space<hbm>> -> memref<256x128xf32, #tpu.memory_space<hbm>>
    tpu.wait_dma2 semaphore(%arg12 : memref<!tpu.dma_semaphore, #tpu.memory_space<semaphore_mem>>) src(%dma_wait3A_154 : memref<256x128xf32, #tpu.memory_space<hbm>>) dst(%arg8 : memref<256x128xf32, #tpu.memory_space<vmem>>)
    %add3A_155 = arith.constant 25344 : i32
    %add3A_156 = arith.addi %mul3A_2, %add3A_155 : i32
    %dma_start3A_157 = arith.constant 0 : i32
    %dma_start3A_158 = tpu.memref_slice %arg4[%add3A_156, %dma_start3A_157] : memref<819200x128xf32, #tpu.memory_space<hbm>> -> memref<256x128xf32, #tpu.memory_space<hbm>>
    %dma_start3A_159 = arith.constant 0 : i32
    %dma_start3A_160 = tpu.memref_slice %arg4[%add3A_156, %dma_start3A_159] : memref<819200x128xf32, #tpu.memory_space<hbm>> -> memref<256x128xf32, #tpu.memory_space<hbm>>
    tpu.enqueue_dma source(%arg8 : memref<256x128xf32, #tpu.memory_space<vmem>>) target(%dma_start3A_160 : memref<256x128xf32, #tpu.memory_space<hbm>>) target_semaphore(%arg14 : memref<!tpu.dma_semaphore, #tpu.memory_space<semaphore_mem>>)
    %dma_wait3A_161 = arith.constant 0 : i32
    %dma_wait3A_162 = arith.constant 0 : i32
    %dma_wait3A_163 = tpu.memref_slice %arg4[%dma_wait3A_161, %dma_wait3A_162] : memref<819200x128xf32, #tpu.memory_space<hbm>> -> memref<256x128xf32, #tpu.memory_space<hbm>>
    %dma_wait3A_164 = arith.constant 0 : i32
    %dma_wait3A_165 = arith.constant 0 : i32
    %dma_wait3A_166 = tpu.memref_slice %arg4[%dma_wait3A_164, %dma_wait3A_165] : memref<819200x128xf32, #tpu.memory_space<hbm>> -> memref<256x128xf32, #tpu.memory_space<hbm>>
    tpu.wait_dma2 semaphore(%arg13 : memref<!tpu.dma_semaphore, #tpu.memory_space<semaphore_mem>>) src(%arg7 : memref<256x128xf32, #tpu.memory_space<vmem>>) dst(%dma_wait3A_166 : memref<256x128xf32, #tpu.memory_space<hbm>>)
    %dma_wait3A_167 = arith.constant 0 : i32
    %dma_wait3A_168 = arith.constant 0 : i32
    %dma_wait3A_169 = tpu.memref_slice %arg4[%dma_wait3A_167, %dma_wait3A_168] : memref<819200x128xf32, #tpu.memory_space<hbm>> -> memref<256x128xf32, #tpu.memory_space<hbm>>
    %dma_wait3A_170 = arith.constant 0 : i32
    %dma_wait3A_171 = arith.constant 0 : i32
    %dma_wait3A_172 = tpu.memref_slice %arg4[%dma_wait3A_170, %dma_wait3A_171] : memref<819200x128xf32, #tpu.memory_space<hbm>> -> memref<256x128xf32, #tpu.memory_space<hbm>>
    tpu.wait_dma2 semaphore(%arg14 : memref<!tpu.dma_semaphore, #tpu.memory_space<semaphore_mem>>) src(%arg8 : memref<256x128xf32, #tpu.memory_space<vmem>>) dst(%dma_wait3A_172 : memref<256x128xf32, #tpu.memory_space<hbm>>)
    return
  }
}

</mosaic_0001>

<sc_bundles>
// kernel: kernel.3.cloned.1.call-start
scs
__scs_entry_jumppad:
0x0: {  	(pc) =	sbr.rel $0x88, $3  }
0x1: {  	(tag) =	ssettag $0x0;
	lr =	simm.s32 $0x1  }
0x2: {  	[smem:$0x3F9F] =	sst lr;
	_ =	strace $0xD0000000  }
0x3: {  	_ = 	snop  }
0x4: {  	_ = 	snop  }
0x5: {  	_ = 	snop  }
0x6: {  	_ = 	snop  }
0x7: {  	_ = 	snop  }
__scs_overlays_trampoline_lowered:
0x8: {  	[smem:$0x3FAE] =	sst s0  }
0x9: {  	[smem:$0x3FAF] =	sst s1  }
0xa: {  	[smem:$0x3FB0] =	sst s2  }
0xb: {  	[smem:$0x3FB1] =	sst s3  }
0xc: {  	[smem:$0x3FB2] =	sst s4  }
0xd: {  	[smem:$0x3FB3] =	sst s5  }
0xe: {  	[smem:$0x3FB4] =	sst s6  }
0xf: {  	[smem:$0x3FB5] =	sst s7  }
0x10: {  	[smem:$0x3FB6] =	sst s8  }
0x11: {  	[smem:$0x3FB7] =	sst s9;
	s0 =	simm.s32 @!p0 $0x0  }
0x12: {  	s1 =	sld [smem:$0x3F9D];
	s0 =	simm.s32 @p0 $0x1  }
0x13: {  	[smem:$0x3FB8] =	sst s0;
	s0 =	simm.s32 @!p1 $0x0  }
0x14: {  	s2 =	sld [smem:$0x3F9C];
	s0 =	simm.s32 @p1 $0x1  }
0x15: {  	[smem:$0x3FB9] =	sst s0;
	s0 =	simm.s32 @!p2 $0x0  }
0x16: {  	s3 =	sld [smem:$0x3FDB];
	s0 =	simm.s32 @p2 $0x1  }
0x17: {  	s4 =	simm.s32 $0x1BF5;
	[smem:$0x3FBB] =	sst s0  }
0x18: {  	s0 =	sld [smem:$0x3F9E];
	_ =	swait.ge [sflag:s4], $0x0  }
0x19: {  	s7 =	sld [smem:$0x3F9F]  }
0x1a: {  	s8 =	sadd.s32 $0xFFFFE003, lr  }
0x1b: {  	s9 =	sadd.s32 $0xFFFFFEF7, lr;
	s5 =	simm.s32 $0xFFFFFFFF;
	p2 =	slt.u32 s8, $0xFFFFF086  }
0x1c: {  	p1 =	slt.u32 s9, $0xF7A;
	s5 =	simm.s32 @!p2 $0x0  }
0x1d: {  	s5 =	simm.s32 @p1 $0x1;
	p0 =	seq.s32 s7, s2  }
0x1e: {  	s7 =	smul.u32 @!p0 $0xF7A, s2;
	p2 =	seq.s32 @!p0 s5, $0x0  }
0x1f: {  	s9 =	smul.u32 $0xF7A, s1;
	s8 =	simm.s32 @!p0 $0x1BF5;
	p2 =	por !p2, p0  }
0x20: {  	[sflag:s8] =	ssyncset.s32 @!p0 $0xFFFFF086;
	s6 =	sadd.s32 @!p0 s3, s7;
	s7 =	simm.s32 @!p0 $0x108  }
0x21: {  	s3 =	sadd.s32 s3, s9;
	s6 =	sadd.s32 @!p0 $0x88, s6;
	s7 =	simm.s32 @p2 $0x1082  }
0x22: {  	[simem:s7], [sflag:s8] =	dma.local @!p0 [hbm:s6], $0xF7A  }
0x23: {  	s9 =	sor.u32 $0xD0000000, s2;
	s6 =	simm.s32 $0x108;
	_ =	swait.ge @!p0 [sflag:s8], $0x0  }
0x24: {  	s3 =	sadd.s32 $0x88, s3;
	s6 =	simm.s32 @!p1 $0x1082;
	[sflag:s4] =	ssyncset.s32 $0xFFFFF086  }
0x25: {  	[simem:s6], [sflag:s4] =	dma.local [hbm:s3], $0xF7A  }
0x26: {  	[smem:$0x3F9F] =	sst s1;
	(tag) =	ssettag s2;
	_ =	strace s9  }
0x27: {  	s1 =	sld [smem:$0x3FAF]  }
0x28: {  	s2 =	sld [smem:$0x3FB0]  }
0x29: {  	s4 =	sld [smem:$0x3FB2]  }
0x2a: {  	p0 =	seq.s32 s5, $0x0;
	s5 =	sld [smem:$0x3FB3]  }
0x2b: {  	s6 =	sld [smem:$0x3FB4]  }
0x2c: {  	s7 =	sld [smem:$0x3FB5]  }
0x2d: {  	s3 =	simm.s32 $0x108;
	s8 =	sld [smem:$0x3FB6]  }
0x2e: {  	s3 =	simm.s32 @!p0 $0x1082;
	s9 =	sld [smem:$0x3FB7]  }
0x2f: {  	lr =	sadd.s32 s0, s3;
	s0 =	sld [smem:$0x3FAE]  }
0x30: {  	s3 =	sld [smem:$0x3FB1]  }
0x31: {  	[smem:$0x3FBA] =	sst s10  }
0x32: {  	s10 =	sld [smem:$0x3FB8];
	_ =	sdelay $0x3  }
0x33: {  	p0 =	seq.s32 s10, $0x1;
	s10 =	sld [smem:$0x3FBA];
	_ =	sdelay $0x3  }
0x34: {  	[smem:$0x3FBA] =	sst s10  }
0x35: {  	s10 =	sld [smem:$0x3FB9];
	_ =	sdelay $0x3  }
0x36: {  	p1 =	seq.s32 s10, $0x1;
	s10 =	sld [smem:$0x3FBA];
	_ =	sdelay $0x3  }
0x37: {  	[smem:$0x3FBA] =	sst s10  }
0x38: {  	s10 =	sld [smem:$0x3FBB]  }
0x39: {  	_ = 	snop;
	(pc) =	sbr.ind lr, $3  }
0x3a: {  	_ = 	snop  }
0x3b: {  	_ = 	snop  }
0x3c: {  	p2 =	seq.s32 s10, $0x1;
	s10 =	sld [smem:$0x3FBA]  }
0x3d: {  	_ =	shalt  }
0x3e: {  	_ =	shalt  }
0x3f: {  	_ =	shalt  }
0x40: {  	_ =	shalt  }
0x41: {  	_ =	shalt  }
0x42: {  	_ =	shalt  }
0x43: {  	_ =	shalt  }
0x44: {  	_ =	shalt  }
0x45: {  	_ =	shalt  }
0x46: {  	_ =	shalt  }
0x47: {  	_ =	shalt  }
0x48: {  	_ =	shalt  }
0x49: {  	_ =	shalt  }
0x4a: {  	_ =	shalt  }
0x4b: {  	_ =	shalt  }
0x4c: {  	_ =	shalt  }
0x4d: {  	_ =	shalt  }
0x4e: {  	_ =	shalt  }
0x4f: {  	_ =	shalt  }
0x50: {  	_ =	shalt  }
0x51: {  	_ =	shalt  }
0x52: {  	_ =	shalt  }
0x53: {  	_ =	shalt  }
0x54: {  	_ =	shalt  }
0x55: {  	_ =	shalt  }
0x56: {  	_ =	shalt  }
0x57: {  	_ =	shalt  }
0x58: {  	_ =	shalt  }
0x59: {  	_ =	shalt  }
0x5a: {  	_ =	shalt  }
0x5b: {  	_ =	shalt  }
0x5c: {  	_ =	shalt  }
0x5d: {  	_ =	shalt  }
0x5e: {  	_ =	shalt  }
0x5f: {  	_ =	shalt  }
0x60: {  	_ =	shalt  }
0x61: {  	_ =	shalt  }
0x62: {  	_ =	shalt  }
0x63: {  	_ =	shalt  }
0x64: {  	_ =	shalt  }
0x65: {  	_ =	shalt  }
0x66: {  	_ =	shalt  }
0x67: {  	_ =	shalt  }
0x68: {  	_ =	shalt  }
0x69: {  	_ =	shalt  }
0x6a: {  	_ =	shalt  }
0x6b: {  	_ =	shalt  }
0x6c: {  	_ =	shalt  }
0x6d: {  	_ =	shalt  }
0x6e: {  	_ =	shalt  }
0x6f: {  	_ =	shalt  }
0x70: {  	_ =	shalt  }
0x71: {  	_ =	shalt  }
0x72: {  	_ =	shalt  }
0x73: {  	_ =	shalt  }
0x74: {  	_ =	shalt  }
0x75: {  	_ =	shalt  }
0x76: {  	_ =	shalt  }
0x77: {  	_ =	shalt  }
0x78: {  	_ =	shalt  }
0x79: {  	_ =	shalt  }
0x7a: {  	_ =	shalt  }
0x7b: {  	_ =	shalt  }
0x7c: {  	_ =	shalt  }
0x7d: {  	_ =	shalt  }
0x7e: {  	_ =	shalt  }
0x7f: {  	_ =	shalt  }
0x80: {  	_ =	shalt  }
0x81: {  	_ =	shalt  }
0x82: {  	_ =	shalt  }
0x83: {  	_ =	shalt  }
0x84: {  	_ =	shalt  }
0x85: {  	_ =	shalt  }
0x86: {  	_ =	shalt  }
0x87: {  	_ =	shalt  }
.Lfunc_end0:
.L_simem_size_0:
called_computation.1_lowered:
.L_overlay_start_0:
0x88: {  	s2 =	sld [smem:$0x3FD9]  }
0x89: {  	s3 =	sld [smem:$0x3FFE];
	_ =	sdelay $0x1  }
0x8a: {  	s1 =	srdreg.scid  }
0x8b: {  	s0 =	sand.u32 $0x1, s1  }
0x8c: {  	s17 =	sshll.u32 s0, $0xA;
	s2 =	sadd.s32 s3, s2  }
0x8d: {  	s2 =	sadd.s32 s2, s17  }
0x8e: {  	[smem:$0x3FC6] =	sst s2  }
0x8f: {  	_ = 	snop  }
0x90: {  	s2 =	sld [smem:$0x3FD0];
	(tm) =	ssettm $0x1  }
0x91: {  	s18 =	sld [smem:$0x3FFB];
	_ =	sdelay $0x3  }
0x92: {  	_ =	strace s18  }
0x93: {  	s3 =	sld [smem:$0x3FFC];
	_ =	sdelay $0x3  }
0x94: {  	_ =	strace s3  }
0x95: {  	s3 =	sld [smem:$0x3FFD];
	_ =	sdelay $0x3  }
0x96: {  	_ =	strace s3  }
0x97: {  	_ =	strace $0x8FFFFFFF  }
0x98: {  	s19 =	sld [smem:$0x3FDB];
	_ =	sdelay $0x1  }
0x99: {  	s4 =	simm.s32 $_scs_section_size  }
0x9a: {  	s5 =	simm.s32 $_size__tile_overlayer_lowered;
	s6 =	simm.s32 $_tile_overlayer_lowered  }
0x9b: {  	s22 =	simm.s32 $0x1BFF;
	s21 =	sshll.u32 s6, $0x1;
	s3 =	sadd.s32 s4, s19  }
0x9c: {  	s7 =	simm.s32 $0x0;
	s20 =	sshll.u32 s5, $0x1;
	s5 =	sadd.s32 s21, s3  }
0x9d: {  	[timem:s7], [sflag:s22] =	dma.local [hbm:s5], s20  }
0x9e: {  	_ =	swait.ge [sflag:s22], s20  }
0x9f: {  	s4 =	ssub.s32 $0x0, s20;
	[sflag:s22] =	ssyncset.done $0x0  }
0xa0: {  	[sflag:s22] =	ssyncadd.s32 s4;
	_ =	sdelay $0x1  }
0xa1: {  	s23 =	simm.s32 $0x1B8B  }
0xa2: {  	_ =	swait.ge [sflag:s23], $0x1  }
0xa3: {  	[sflag:s23] =	ssyncset.done $0x0  }
0xa4: {  	s25 =	simm.s32 $0x1B8E;
	s24 =	sld [smem:$0x3FFE];
	[sflag:s23] =	ssyncadd.s32 $0xFFFFFFFF  }
0xa5: {  	s26 =	simm.s32 $execute0_lowered;
	[smem:$0x3FD2] =	sst s25  }
0xa6: {  	s5 =	sshll.u32 s26, $0x1;
	_ =	strace $0x80000046;
	[dreg:$0x1] =	wrdreg $0xFFFFFFFF  }
0xa7: {  	s28 =	simm.s32 $_size_execute0_lowered;
	s3 =	sadd.s32 s3, s5;
	[dreg:$0x0] =	wrdreg $0x0  }
0xa8: {  	s5 =	sshll.u32 s28, $0x1;
	[dreg:$0x2] =	wrdreg s3  }
0xa9: {  	[dreg:$0x3] =	wrdreg s5  }
0xaa: {  	[dreg:$0x4] =	wrdreg $0xC0  }
0xab: {  	_ =	task [dreg:s7], $0x5FFFF  }
0xac: {  	[dreg:$0x1] =	wrdreg $0xFFFFFFFF  }
0xad: {  	[dreg:$0x0] =	wrdreg $0x60  }
0xae: {  	[dreg:$0x2] =	wrdreg s2  }
0xaf: {  	[dreg:$0x3] =	wrdreg s24  }
0xb0: {  	[dreg:$0x4] =	wrdreg $0x9  }
0xb1: {  	_ =	task.clear_ibuf [dreg:s7], $0x5FFFF;
	_ =	strace $0x90000046  }
0xb2: {  	s29 =	simm.s32 $0x9;
	_ =	strace $0x80000048  }
0xb3: {  	_ =	swait.ge [sflag:s29], $0x1  }
0xb4: {  	[sflag:s29] =	ssyncadd.s32 $0xFFFFFFFF  }
0xb5: {  	_ =	strace $0x90000048  }
0xb6: {  	_ =	sfence  }
0xb7: {  	s30 =	sld [smem:$0x0];
	_ =	sdelay $0x2  }
0xb8: {  	s31 =	sshll.u32 s1, $0xD;
	s1 =	sshrl.u32 s1, $0x2  }
0xb9: {  	s3 =	sand.u32 $0x4000, s31;
	s1 =	sadd.s32 s1, s30  }
0xba: {  	s0 =	sor.u32 s3, s0;
	s1 =	sshll.u32 s1, $0x11  }
0xbb: {  	s0 =	sor.u32 s1, s0  }
0xbc: {  	s0 =	sadd.s32 $0x8F2B, s0  }
0xbd: {  	[sflag:s0] =	ssyncadd.remote.s32 $0x1  }
0xbe: {  	_ =	sfence.sel $0xFFFF  }
0xbf: {  	[dreg:$0x0] =	wrdreg $0xFFFFFFFF;
	(pc) =	sbr.abs _section_cstart, $3  }
0xc0: {  	[dreg:$0x1] =	wrdreg $0xFFFFFFFF  }
0xc1: {  	_ =	task.clear_ibuf [dreg:s7], $0x2FFFF;
	_ =	strace $0x9FFFFFFF  }
0xc2: {  	(tm) =	ssettm $0x7FFFFFFF  }
0xc3: {  	_ =	shalt  }
tec
execute0_lowered:
.L_overlay_start_1:
0x0: {  	(tag) =	ssettag $0x1  }
0x1: {  	s0 =	rddreg [dreg:$0x0]  }
0x2: {  	s1 =	rddreg [dreg:$0x1];
	s16 =	stileid.u32  }
0x3: {  	s3 =	srdreg.scid;
	s13 =	smul.u32 $0x640000, s16  }
0x4: {  	s5 =	sand.u32 $0x1, s3;
	s14 =	sshll.u32 s16, $0x1;
	s22 =	smul.u32 $0xC8000, s16  }
0x5: {  	s2 =	simm.s32 $0x0;
	s6 =	sor.u32 s5, s14;
	s14 =	smul.u32 $0x320000, s5  }
0x6: {  	s28 =	simm.s32 $0x5;
	s29 =	simm.s32 $0x4;
	s21 =	smul.u32 $0x6400, s5  }
0x7: {  	s30 =	simm.s32 $0x6;
	s4 =	ssub.s32 $0x2, s5;
	s5 =	smul.u32 $0x64000, s5  }
0x8: {  	s31 =	simm.s32 $0x0;
	[smem:$0x7FF] =	sst s2;
	s8 =	smul.u32 $0x6400, s6  }
0x9: {  	s3 =	sadd.s32 $0xF42E00, s1;
	s1 =	sadd.s32 $0xA00, s1;
	s17 =	smul.u32 $0x64000, s6  }
0xa: {  	_ =	strace $0x80000047;
	s7 =	sshrl.u32 s4, $0x1;
	s6 =	smul.u32 $0x320000, s6  }
0xb: {  	s12 =	ssub.s32 s4, s7;
	s20 =	sadd.s32 s14, s13;
	s15 =	sshrl.u32 s8, $0x3  }
0xc: {  	s9 =	sor.u32 $0x100, s8;
	s7 =	sadd.s32 s1, s17;
	s6 =	sshrl.u32 s6, $0x3  }
0xd: {  	s12 =	smax.u32 s12, $0x1;
	s17 =	simm.s32 $0x100;
	s4 =	sadd.s32 s0, s15  }
0xe: {  	s8 =	sshrl.u32 s9, $0x3;
	[dreg:$0x5] =	wrdreg s7;
	s9 =	sshll.u32 s9, $0x4  }
0xf: {  	s6 =	sadd.s32 s1, s6;
	s15 =	smul.u32 $0xC800, s16;
	s8 =	sadd.s32 s0, s8  }
0x10: {  	s18 =	sadd.s32 $0x40, s4;
	s19 =	sadd.s32 $0x60, s4;
	s9 =	sadd.s32 s1, s9  }
0x11: {  	s10 =	sadd.s32 $0x62000, s6;
	s11 =	sadd.s32 $0x63000, s6;
	[dreg:$0x3] =	wrdreg s8  }
0x12: {  	s6 =	sor.u32 $0x10000, s20;
	s20 =	simm.s32 $0x200;
	[dreg:$0x4] =	wrdreg s18  }
0x13: {  	[dreg:$0x6] =	wrdreg s19;
	s6 =	sshrl.u32 s6, $0x3;
	s15 =	sadd.s32 s21, s15  }
0x14: {  	s18 =	simm.s32 $0x1;
	s19 =	simm.s32 $0x80;
	s21 =	simm.s32 $0x4200  }
0x15: {  	s13 =	sadd.s32 s6, s1;
	s1 =	sadd.s32 s22, s1;
	s23 =	sadd.s32 $0x500, s15  }
0x16: {  	s25 =	sadd.s32 $0x400, s15;
	s22 =	simm.s32 $0x2;
	s1 =	sadd.s32 s5, s1  }
0x17: {  	s24 =	sshrl.u32 s23, $0x3;
	s26 =	sshrl.u32 s25, $0x3;
	s23 =	simm.s32 $0x8200  }
0x18: {  	s25 =	simm.s32 $0xC200;
	s6 =	sadd.s32 $0x3000, s1;
	s15 =	sadd.s32 s24, s0  }
0x19: {  	s16 =	sadd.s32 s26, s0;
	s24 =	simm.s32 $0x180;
	s26 =	simm.s32 $0x3  }
.LBB2_1:
0x1a: {  	[tilespmem:s2], [sflag:$0x1] =	stream.linear.gather [hbm4b:s4+s2], $0x100, $0x38;
	[tilespmem:$0x10200] =	vst v63  }
0x1b: {  	s0 =	rddreg [dreg:$0x3]  }
0x1c: {  	[tilespmem:s17], [sflag:$0x2] =	stream.linear.gather [hbm4b:s0+s2], $0x100, $0x38;
	[tilespmem:$0x10200] =	vst v63  }
0x1d: {  	_ =	swait.ge [sflag:s18], $0x100  }
0x1e: {  	[sflag:s18] =	ssyncset.done $0x0  }
0x1f: {  	[sflag:s18] =	ssyncadd.s32 $0xFFFFFF00  }
0x20: {  	[tilespmem:s20], [sflag:$0x3] =	stream.indirect.gather [hbm4b:s3+s19], $0x80, s2, s19, $0xb8;
	[tilespmem:$0x10200] =	vst v63  }
0x21: {  	_ = 	snop  }
0x22: {  	[tilespmem:s21], [sflag:$0x3] =	stream.indirect.gather [hbm4b:s3+s19], $0x80, s19, s19, $0xb8;
	[tilespmem:$0x10200] =	vst v63  }
0x23: {  	_ =	swait.ge [sflag:s22], $0x100  }
0x24: {  	[sflag:s22] =	ssyncset.done $0x0  }
0x25: {  	[sflag:s22] =	ssyncadd.s32 $0xFFFFFF00  }
0x26: {  	[tilespmem:s23], [sflag:$0x4] =	stream.indirect.gather [hbm4b:s3+s19], $0x80, s17, s19, $0xb8;
	[tilespmem:$0x10200] =	vst v63  }
0x27: {  	_ = 	snop  }
0x28: {  	[tilespmem:s25], [sflag:$0x4] =	stream.indirect.gather [hbm4b:s3+s19], $0x80, s24, s19, $0xb8;
	[tilespmem:$0x10200] =	vst v63  }
0x29: {  	_ =	swait.ge [sflag:s26], $0x8000  }
0x2a: {  	[sflag:s26] =	ssyncset.done $0x0  }
0x2b: {  	s1 =	rddreg [dreg:$0x4];
	[sflag:s26] =	ssyncadd.s32 $0xFFFF8000  }
0x2c: {  	[tilespmem:s2], [sflag:$0x1] =	stream.linear.gather [hbm4b:s1+s2], $0x100, $0x38;
	[tilespmem:$0x10200] =	vst v63  }
0x2d: {  	s5 =	rddreg [dreg:$0x5]  }
0x2e: {  	[hbm4b:s5+s2] =	stream.linear.scatter [tilespmem:s20], [sflag:$0x5], $0x8000, $0x38;
	[tilespmem:$0x10200] =	vst v63  }
0x2f: {  	_ =	swait.ge [sflag:s28], $0x8000  }
0x30: {  	[sflag:s28] =	ssyncset.done $0x0  }
0x31: {  	[sflag:s28] =	ssyncadd.s32 $0xFFFF8000  }
0x32: {  	_ =	swait.ge [sflag:s18], $0x100  }
0x33: {  	[sflag:s18] =	ssyncset.done $0x0  }
0x34: {  	[sflag:s18] =	ssyncadd.s32 $0xFFFFFF00  }
0x35: {  	[tilespmem:s20], [sflag:$0x3] =	stream.indirect.gather [hbm4b:s3+s19], $0x80, s2, s19, $0xb8;
	[tilespmem:$0x10200] =	vst v63  }
0x36: {  	_ = 	snop  }
0x37: {  	[tilespmem:s21], [sflag:$0x3] =	stream.indirect.gather [hbm4b:s3+s19], $0x80, s19, s19, $0xb8;
	[tilespmem:$0x10200] =	vst v63  }
0x38: {  	_ =	swait.ge [sflag:s29], $0x8000  }
0x39: {  	[sflag:s29] =	ssyncset.done $0x0  }
0x3a: {  	s7 =	rddreg [dreg:$0x6];
	[sflag:s29] =	ssyncadd.s32 $0xFFFF8000  }
0x3b: {  	[tilespmem:s17], [sflag:$0x2] =	stream.linear.gather [hbm4b:s7+s2], $0x100, $0x38;
	[tilespmem:$0x10200] =	vst v63  }
0x3c: {  	_ = 	snop  }
0x3d: {  	[hbm4b:s9+s2] =	stream.linear.scatter [tilespmem:s23], [sflag:$0x6], $0x8000, $0x38;
	[tilespmem:$0x10200] =	vst v63  }
0x3e: {  	_ =	swait.ge [sflag:s30], $0x8000  }
0x3f: {  	[sflag:s30] =	ssyncset.done $0x0  }
0x40: {  	[sflag:s30] =	ssyncadd.s32 $0xFFFF8000  }
0x41: {  	_ =	swait.ge [sflag:s22], $0x100  }
0x42: {  	[sflag:s22] =	ssyncset.done $0x0  }
0x43: {  	[sflag:s22] =	ssyncadd.s32 $0xFFFFFF00  }
0x44: {  	[tilespmem:s23], [sflag:$0x4] =	stream.indirect.gather [hbm4b:s3+s19], $0x80, s17, s19, $0xb8;
	[tilespmem:$0x10200] =	vst v63  }
0x45: {  	_ = 	snop  }
0x46: {  	[tilespmem:s25], [sflag:$0x4] =	stream.indirect.gather [hbm4b:s3+s19], $0x80, s24, s19, $0xb8;
	[tilespmem:$0x10200] =	vst v63  }
0x47: {  	_ =	swait.ge [sflag:s26], $0x8000  }
0x48: {  	[sflag:s26] =	ssyncset.done $0x0  }
0x49: {  	s8 =	sadd.s32 $0x0, s16;
	[sflag:s26] =	ssyncadd.s32 $0xFFFF8000  }
0x4a: {  	[tilespmem:s2], [sflag:$0x1] =	stream.linear.gather [hbm4b:s8+s2], $0x100, $0x38;
	[tilespmem:$0x10200] =	vst v63  }
0x4b: {  	_ = 	snop  }
0x4c: {  	[hbm4b:s13+s2] =	stream.linear.scatter [tilespmem:s20], [sflag:$0x5], $0x8000, $0x38;
	[tilespmem:$0x10200] =	vst v63  }
0x4d: {  	_ =	swait.ge [sflag:s28], $0x8000  }
0x4e: {  	[sflag:s28] =	ssyncset.done $0x0  }
0x4f: {  	[sflag:s28] =	ssyncadd.s32 $0xFFFF8000  }
0x50: {  	_ =	swait.ge [sflag:s18], $0x100  }
0x51: {  	[sflag:s18] =	ssyncset.done $0x0  }
0x52: {  	[sflag:s18] =	ssyncadd.s32 $0xFFFFFF00  }
0x53: {  	[tilespmem:s20], [sflag:$0x3] =	stream.indirect.gather [hbm4b:s3+s19], $0x80, s2, s19, $0xb8;
	[tilespmem:$0x10200] =	vst v63  }
0x54: {  	_ = 	snop  }
0x55: {  	[tilespmem:s21], [sflag:$0x3] =	stream.indirect.gather [hbm4b:s3+s19], $0x80, s19, s19, $0xb8;
	[tilespmem:$0x10200] =	vst v63  }
0x56: {  	_ =	swait.ge [sflag:s29], $0x8000  }
0x57: {  	[sflag:s29] =	ssyncset.done $0x0  }
0x58: {  	s14 =	sadd.s32 $0x0, s15;
	s0 =	simm.s32 $0x40;
	[sflag:s29] =	ssyncadd.s32 $0xFFFF8000  }
0x59: {  	[tilespmem:s17], [sflag:$0x2] =	stream.linear.gather [hbm4b:s14+s2], $0x100, $0x38;
	[tilespmem:$0x10200] =	vst v63  }
0x5a: {  	s1 =	sadd.s32 $0x2000, s13;
	s5 =	sadd.s32 $0x2000, s6;
	s14 =	smov.u32 s6  }
.LBB2_2:
0x5b: {  	[hbm4b:s14+s2] =	stream.linear.scatter [tilespmem:s23], [sflag:$0x6], $0x8000, $0x38;
	[tilespmem:$0x10200] =	vst v63  }
0x5c: {  	s7 =	smov.u32 s0;
	s14 =	smov.u32 s5  }
0x5d: {  	p0 =	sne.s32 s0, $0xBC0;
	s0 =	sadd.s32 $0x40, s0;
	_ =	swait.ge [sflag:s30], $0x8000  }
0x5e: {  	[sflag:s30] =	ssyncset.done $0x0  }
0x5f: {  	[sflag:s30] =	ssyncadd.s32 $0xFFFF8000  }
0x60: {  	_ =	swait.ge [sflag:s22], $0x100  }
0x61: {  	[sflag:s22] =	ssyncset.done $0x0  }
0x62: {  	[sflag:s22] =	ssyncadd.s32 $0xFFFFFF00  }
0x63: {  	[tilespmem:s23], [sflag:$0x4] =	stream.indirect.gather [hbm4b:s3+s19], $0x80, s17, s19, $0xb8;
	[tilespmem:$0x10200] =	vst v63  }
0x64: {  	_ = 	snop  }
0x65: {  	[tilespmem:s25], [sflag:$0x4] =	stream.indirect.gather [hbm4b:s3+s19], $0x80, s24, s19, $0xb8;
	[tilespmem:$0x10200] =	vst v63  }
0x66: {  	_ =	swait.ge [sflag:s26], $0x8000  }
0x67: {  	[sflag:s26] =	ssyncset.done $0x0  }
0x68: {  	s8 =	sadd.s32 s7, s16;
	[sflag:s26] =	ssyncadd.s32 $0xFFFF8000  }
0x69: {  	[tilespmem:s2], [sflag:$0x1] =	stream.linear.gather [hbm4b:s8+s2], $0x100, $0x38;
	[tilespmem:$0x10200] =	vst v63  }
0x6a: {  	_ = 	snop  }
0x6b: {  	[hbm4b:s1+s2] =	stream.linear.scatter [tilespmem:s20], [sflag:$0x5], $0x8000, $0x38;
	[tilespmem:$0x10200] =	vst v63  }
0x6c: {  	_ =	swait.ge [sflag:s28], $0x8000  }
0x6d: {  	[sflag:s28] =	ssyncset.done $0x0  }
0x6e: {  	[sflag:s28] =	ssyncadd.s32 $0xFFFF8000  }
0x6f: {  	_ =	swait.ge [sflag:s18], $0x100  }
0x70: {  	[sflag:s18] =	ssyncset.done $0x0  }
0x71: {  	[sflag:s18] =	ssyncadd.s32 $0xFFFFFF00  }
0x72: {  	[tilespmem:s20], [sflag:$0x3] =	stream.indirect.gather [hbm4b:s3+s19], $0x80, s2, s19, $0xb8;
	[tilespmem:$0x10200] =	vst v63  }
0x73: {  	_ = 	snop  }
0x74: {  	[tilespmem:s21], [sflag:$0x3] =	stream.indirect.gather [hbm4b:s3+s19], $0x80, s19, s19, $0xb8;
	[tilespmem:$0x10200] =	vst v63  }
.Ltmp0:
0x75: {  	_ =	swait.ge [sflag:s29], $0x8000;
	(pc) =	sbr.rel @p0 .LBB2_2-.Ltmp0, $4  }
0x76: {  	[sflag:s29] =	ssyncset.done $0x0  }
0x77: {  	s7 =	sadd.s32 s7, s15;
	[sflag:s29] =	ssyncadd.s32 $0xFFFF8000  }
0x78: {  	[tilespmem:s17], [sflag:$0x2] =	stream.linear.gather [hbm4b:s7+s2], $0x100, $0x38;
	[tilespmem:$0x10200] =	vst v63  }
0x79: {  	s5 =	sadd.s32 $0x2000, s5;
	s1 =	sadd.s32 $0x2000, s1  }
0x7a: {  	[hbm4b:s14+s2] =	stream.linear.scatter [tilespmem:s23], [sflag:$0x6], $0x8000, $0x38;
	[tilespmem:$0x10200] =	vst v63  }
0x7b: {  	_ =	swait.ge [sflag:s30], $0x8000  }
0x7c: {  	[sflag:s30] =	ssyncset.done $0x0  }
0x7d: {  	[sflag:s30] =	ssyncadd.s32 $0xFFFF8000  }
0x7e: {  	_ =	swait.ge [sflag:s22], $0x100  }
0x7f: {  	[sflag:s22] =	ssyncset.done $0x0  }
0x80: {  	[sflag:s22] =	ssyncadd.s32 $0xFFFFFF00  }
0x81: {  	[tilespmem:s23], [sflag:$0x4] =	stream.indirect.gather [hbm4b:s3+s19], $0x80, s17, s19, $0xb8;
	[tilespmem:$0x10200] =	vst v63  }
0x82: {  	_ = 	snop  }
0x83: {  	[tilespmem:s25], [sflag:$0x4] =	stream.indirect.gather [hbm4b:s3+s19], $0x80, s24, s19, $0xb8;
	[tilespmem:$0x10200] =	vst v63  }
0x84: {  	_ =	swait.ge [sflag:s26], $0x8000  }
0x85: {  	[sflag:s26] =	ssyncset.done $0x0  }
0x86: {  	[sflag:s26] =	ssyncadd.s32 $0xFFFF8000  }
0x87: {  	[hbm4b:s10+s2] =	stream.linear.scatter [tilespmem:s20], [sflag:$0x5], $0x8000, $0x38;
	[tilespmem:$0x10200] =	vst v63  }
0x88: {  	_ =	swait.ge [sflag:s29], $0x8000  }
0x89: {  	[sflag:s29] =	ssyncset.done $0x0  }
0x8a: {  	s31 =	sadd.s32 $0x1, s31;
	[sflag:s29] =	ssyncadd.s32 $0xFFFF8000  }
0x8b: {  	[hbm4b:s11+s2] =	stream.linear.scatter [tilespmem:s23], [sflag:$0x6], $0x8000, $0x38;
	[tilespmem:$0x10200] =	vst v63  }
0x8c: {  	p0 =	sne.s32 s31, s12;
	_ =	swait.ge [sflag:s28], $0x8000  }
.Ltmp1:
0x8d: {  	[sflag:s28] =	ssyncset.done $0x0;
	(pc) =	sbr.rel @p0 .LBB2_1-.Ltmp1, $4  }
0x8e: {  	[sflag:s28] =	ssyncadd.s32 $0xFFFF8000  }
0x8f: {  	_ =	swait.ge [sflag:s30], $0x8000  }
0x90: {  	[sflag:s30] =	ssyncset.done $0x0  }
0x91: {  	[sflag:s30] =	ssyncadd.s32 $0xFFFF8000  }
0x92: {  	_ =	sfence.sel $0x180000  }
0x93: {  	[bflag:$0x0] =	sbarrier.arrive $0xFFFF  }
0x94: {  	_ =	strace $0x90000047  }
0x95: {  	s0 =	stileid.u32;
	[bflag:$0x2] =	sbarrier.arrive $0xFFFF  }
0x96: {  	p0 =	sne.s32 s0, $0x0;
	s0 =	rddreg [dreg:$0x2]  }
0x97: {  	s0 =	sadd.s32 @!p0 $0x100000, s0  }
0x98: {  	[sflag:s0] =	ssyncadd.tile.s32 @!p0 $0x1;
	_ =	shalt  }
.Lfunc_end2:
_tile_overlayer_lowered:
.L_overlay_start_2:
0x99: {  	(tag) =	ssettag $0x2  }
0x9a: {  	s0 =	rddreg [dreg:$0x0];
	s2 =	stileid.u32  }
0x9b: {  	s1 =	rddreg [dreg:$0x1];
	p0 =	sne.s32 s2, $0x0  }
0x9c: {  	s3 =	rddreg [dreg:$0x2];
	[bflag:$0x3] =	sbarrier.arrive $0xFFFF;
	s2 =	simm.s32 @!p0 $0x1C07  }
0x9d: {  	[timem:s3], [sflag:s2] =	dma.local @!p0 [hbm:s0], s1  }
0x9e: {  	s0 =	simm.s32 @!p0 $0x7  }
0x9f: {  	_ =	swait.ge @!p0 [sflag:s0], s1  }
0xa0: {  	s1 =	ssub.s32 @!p0 $0x0, s1;
	[sflag:s0] =	ssyncset.done @!p0 $0x0  }
0xa1: {  	[sflag:s0] =	ssyncadd.s32 @!p0 s1  }
0xa2: {  	[bflag:$0x3] =	sbarrier.arrive $0xFFFF  }
0xa3: {  	_ =	shalt  }

// kernel: sparse-core-data-format-call.cloned.1.call-start
scs
called_computation_lowered:
.L_overlay_start_0:
0x0: {  	s2 =	sld [smem:$0x3FD9]  }
0x1: {  	s3 =	sld [smem:$0x3FFE];
	_ =	sdelay $0x1  }
0x2: {  	s1 =	srdreg.scid  }
0x3: {  	s0 =	sand.u32 $0x1, s1  }
0x4: {  	s18 =	sshll.u32 s0, $0xA;
	s2 =	sadd.s32 s3, s2  }
0x5: {  	s2 =	sadd.s32 s2, s18  }
0x6: {  	[smem:$0x3FC6] =	sst s2  }
0x7: {  	_ = 	snop  }
0x8: {  	s2 =	sld [smem:$0x3FD0];
	(tm) =	ssettm $0x1  }
0x9: {  	s19 =	sld [smem:$0x3FFB];
	_ =	sdelay $0x3  }
0xa: {  	_ =	strace s19  }
0xb: {  	s3 =	sld [smem:$0x3FFC];
	_ =	sdelay $0x3  }
0xc: {  	_ =	strace s3  }
0xd: {  	s3 =	sld [smem:$0x3FFD];
	_ =	sdelay $0x3  }
0xe: {  	_ =	strace s3  }
0xf: {  	_ =	strace $0x8FFFFFFF  }
0x10: {  	s20 =	sld [smem:$0x3FDB];
	_ =	sdelay $0x1  }
0x11: {  	s4 =	simm.s32 $_scs_section_size  }
0x12: {  	s5 =	simm.s32 $_size__tile_overlayer_lowered;
	s6 =	simm.s32 $_tile_overlayer_lowered  }
0x13: {  	s23 =	simm.s32 $0x1BFF;
	s22 =	sshll.u32 s6, $0x1;
	s3 =	sadd.s32 s4, s20  }
0x14: {  	s7 =	simm.s32 $0x0;
	s21 =	sshll.u32 s5, $0x1;
	s5 =	sadd.s32 s22, s3  }
0x15: {  	[timem:s7], [sflag:s23] =	dma.local [hbm:s5], s21  }
0x16: {  	_ =	swait.ge [sflag:s23], s21  }
0x17: {  	s4 =	ssub.s32 $0x0, s21;
	[sflag:s23] =	ssyncset.done $0x0  }
0x18: {  	[sflag:s23] =	ssyncadd.s32 s4;
	_ =	sdelay $0x1  }
0x19: {  	s24 =	simm.s32 $0x1B8B  }
0x1a: {  	_ =	swait.ge [sflag:s24], $0x1  }
0x1b: {  	[sflag:s24] =	ssyncset.done $0x0  }
0x1c: {  	s26 =	simm.s32 $0x1B8E;
	s25 =	sld [smem:$0x3FFE];
	[sflag:s24] =	ssyncadd.s32 $0xFFFFFFFF  }
0x1d: {  	s27 =	simm.s32 $execute0_lowered;
	[smem:$0x3FD2] =	sst s26  }
0x1e: {  	s5 =	sshll.u32 s27, $0x1;
	_ =	strace $0x80000049;
	[dreg:$0x1] =	wrdreg $0xFFFFFFFF  }
0x1f: {  	s28 =	simm.s32 $_size_execute0_lowered;
	s3 =	sadd.s32 s3, s5;
	[dreg:$0x0] =	wrdreg $0x0  }
0x20: {  	s5 =	sshll.u32 s28, $0x1;
	[dreg:$0x2] =	wrdreg s3  }
0x21: {  	[dreg:$0x3] =	wrdreg s5  }
0x22: {  	[dreg:$0x4] =	wrdreg $0xC0  }
0x23: {  	_ =	task [dreg:s7], $0x5FFFF  }
0x24: {  	[dreg:$0x1] =	wrdreg $0xFFFFFFFF  }
0x25: {  	[dreg:$0x0] =	wrdreg $0x60  }
0x26: {  	[dreg:$0x2] =	wrdreg s25  }
0x27: {  	[dreg:$0x3] =	wrdreg s2  }
0x28: {  	[dreg:$0x4] =	wrdreg $0x9  }
0x29: {  	_ =	task.clear_ibuf [dreg:s7], $0x5FFFF;
	_ =	strace $0x90000049  }
0x2a: {  	s29 =	simm.s32 $0x9;
	_ =	strace $0x8000004B  }
0x2b: {  	_ =	swait.ge [sflag:s29], $0x1  }
0x2c: {  	[sflag:s29] =	ssyncadd.s32 $0xFFFFFFFF  }
0x2d: {  	_ =	strace $0x9000004B  }
0x2e: {  	_ =	sfence  }
0x2f: {  	s30 =	sld [smem:$0x0];
	_ =	sdelay $0x2  }
0x30: {  	s31 =	sshll.u32 s1, $0xD;
	s1 =	sshrl.u32 s1, $0x2  }
0x31: {  	s3 =	sand.u32 $0x4000, s31;
	s1 =	sadd.s32 s1, s30  }
0x32: {  	s0 =	sor.u32 s3, s0;
	s1 =	sshll.u32 s1, $0x11  }
0x33: {  	s0 =	sor.u32 s1, s0  }
0x34: {  	s0 =	sadd.s32 $0x8F2B, s0  }
0x35: {  	[sflag:s0] =	ssyncadd.remote.s32 $0x1  }
0x36: {  	_ =	sfence.sel $0xFFFF  }
0x37: {  	[dreg:$0x0] =	wrdreg $0xFFFFFFFF;
	(pc) =	sbr.abs _section_cstart, $3  }
0x38: {  	[dreg:$0x1] =	wrdreg $0xFFFFFFFF  }
0x39: {  	_ =	task.clear_ibuf [dreg:s7], $0x2FFFF;
	_ =	strace $0x9FFFFFFF  }
0x3a: {  	(tm) =	ssettm $0x7FFFFFFF  }
0x3b: {  	_ =	shalt  }
tec
execute0_lowered:
.L_overlay_start_1:
0x0: {  	(tag) =	ssettag $0x1  }
0x1: {  	s0 =	srdreg.scid  }
0x2: {  	s1 =	sshll.u32 s0, $0x4  }
0x3: {  	s0 =	stileid.u32;
	s1 =	sand.u32 $0x10, s1  }
0x4: {  	s1 =	sor.u32 s0, s1  }
0x5: {  	s6 =	rddreg [dreg:$0x0];
	s4 =	simm.s32 $0x1;
	s2 =	sshll.u32 s1, $0x7  }
0x6: {  	s7 =	simm.s32 $0x2;
	s12 =	simm.s32 $0x0;
	s1 =	ssub.s32 $0x1000, s2  }
0x7: {  	s8 =	simm.s32 $0x8000;
	s13 =	simm.s32 $0x0;
	s3 =	sand.u32 $0xF80, s1  }
0x8: {  	s9 =	simm.s32 $0x0;
	s5 =	sshrl.u32 s1, $0xC;
	p0 =	sne.s32 s3, $0x0  }
.Ltmp0:
0x9: {  	s1 =	rddreg [dreg:$0x2];
	s4 =	simm.s32 @!p0 $0x0;
	(pc) =	sbr.rel .LBB1_1-.Ltmp0, $4  }
0xa: {  	s11 =	simm.s32 $0x0;
	s3 =	rddreg [dreg:$0x1];
	s5 =	sadd.s32 s4, s5  }
0xb: {  	_ =	strace $0x8000004A;
	s4 =	simm.s32 $0x1;
	s5 =	smul.u32 $0xC8, s5  }
0xc: {  	s6 =	sadd.s32 $0xA00, s6;
	s10 =	smov.u32 s2;
	[sflag:s4] =	ssyncpa.u1 $0x0  }
0xd: {  	p0 =	por $0x0, $0x0;
	[sflag:s7] =	ssyncpa.u1 $0x0;
	s7 =	sor.u32 $0x1, s5  }
.LBB1_4:
0xe: {  	s16 =	sshll.u32 s13, $0x3;
	s17 =	sand.u32 $0x78, s13  }
0xf: {  	s30 =	sand.u32 $0x7E00, s13;
	s12 =	sshll.u32 s12, $0xF;
	s16 =	sand.u32 $0xC00, s16  }
0x10: {  	[tilespmem:s15+$0x810 ss:$0x81] =	vst.msk $0xffff, v2;
	s31 =	sand.u32 $0x7, s13;
	s16 =	sor.u32 s17, s16;
	s17 =	sadd.s32 s3, s30  }
0x11: {  	[tilespmem:s15+$0x1020 ss:$0x81] =	vst.msk $0xffff, v0;
	s13 =	sshll.u32 s31, $0x12;
	s12 =	sadd.s32 s12, s17;
	s16 =	sshrl.u32 s16, $0x3  }
0x12: {  	[tilespmem:s15+$0x0 ss:$0x81] =	vst.msk $0xffff, v1;
	s13 =	sor.u32 $0x400, s13;
	s12 =	sadd.s32 s16, s12  }
0x13: {  	[hbm4b:s12+s13] =	stream.strided.scatter [tilespmem:s14], [sflag:$0x2], $0x2000, s8, s13, $0x20;
	[tilespmem:$0x8080] =	vst v63  }
.LBB1_5:
0x14: {  	s14 =	sadd.s32 $0x1, s9  }
0x15: {  	s12 =	sadd.s32 $0x1000, s10;
	s16 =	smov.u32 s10;
	p2 =	sgt.s32 s14, $0xC7  }
0x16: {  	s16 =	smov.u32 @p2 s12  }
0x17: {  	s14 =	simm.s32 @p2 $0x0;
	p2 =	sgt.s32 s16, $0xFFF  }
0x18: {  	s16 =	smov.u32 @p2 s2;
	p2 =	sne.s32 s11, s7  }
.Ltmp1:
0x19: {  	p1 =	slt.u32 s11, $0x2;
	(pc) =	sbr.rel @!p2 .LBB1_6-.Ltmp1, $4  }
0x1a: {  	s15 =	simm.s32 @!p1 $0x2  }
0x1b: {  	s13 =	smov.u32 s10;
	p0 =	por !p0, !p0;
	_ =	swait.ge @!p1 [sflag:s15], $0x2000  }
0x1c: {  	s12 =	smov.u32 s9;
	[sflag:s15] =	ssyncset.done @!p1 $0x0;
	s9 =	smov.u32 s14  }
0x1d: {  	s11 =	sadd.s32 $0x1, s11;
	[sflag:s15] =	ssyncadd.s32 @!p1 $0xFFFFE000;
	s10 =	smov.u32 s16  }
.LBB1_1:
0x1e: {  	p1 =	sge.u32 s11, s5  }
0x1f: {  	s14 =	sand.u32 @!p1 $0x1FFFFFF, s9  }
0x20: {  	s15 =	smulhi.u32 @!p1 $0x147AE15, s14;
	_ =	sdelay $0x1  }
0x21: {  	s15 =	smul.u32 @!p1 $0xC8, s15  }
0x22: {  	s16 =	sxor.u32 @!p1 $0xFFFFFFFF, s11;
	s17 =	smul.u32 @!p1 $0xC80, s10  }
0x23: {  	s31 =	sadd.s32 $0xFFFFFFFF, s11;
	s16 =	sshll.u32 @!p1 s16, $0xD;
	s14 =	ssub.s32 @!p1 s14, s15  }
0x24: {  	s15 =	sand.u32 @!p1 $0x2000, s16;
	s16 =	sadd.s32 @!p1 s6, s17;
	s14 =	sshll.u32 @!p1 s14, $0x4  }
0x25: {  	s17 =	simm.s32 @!p1 $0x6400;
	s14 =	sadd.s32 @!p1 s14, s16;
	s16 =	simm.s32 @!p1 $0x40  }
0x26: {  	[tilespmem:s15], [sflag:$0x1] =	stream.strided.gather @!p1 [hbm4b:s14+s16], $0x2000, s17, s16, $0x38;
	[tilespmem:$0x8080] =	vst v63  }
0x27: {  	p1 =	sge.u32 s31, s5  }
.Ltmp2:
0x28: {  	_ = 	snop;
	(pc) =	sbr.rel @p1 .LBB1_5-.Ltmp2, $1  }
0x29: {  	_ =	sdelay $0x3  }
0x2a: {  	s14 =	simm.s32 $0x1  }
0x2b: {  	_ =	swait.ge [sflag:s4], $0x2000;
	s14 =	simm.s32 @!p0 $0x0  }
0x2c: {  	[sflag:s4] =	ssyncset.done $0x0;
	s15 =	sshll.u32 s14, $0xD  }
0x2d: {  	[sflag:s4] =	ssyncadd.s32 $0xFFFFE000;
	s18 =	sor.u32 $0x20, s15  }
0x2e: {  	s14 =	smul.u32 $0x8100, s14;
	v3 =	vld [tilespmem:s18+$0x10]  }
0x2f: {  	s30 =	sand.u32 $0x1, s11;
	v2 =	vld [tilespmem:s18+$0xFFFFFFF0]  }
0x30: {  	s15 =	smul.u32 $0x8100, s30;
	s14 =	sshrl.u32 s14, $0x2;
	v0 =	vld [tilespmem:s18+$0x0]  }
0x31: {  	v1 =	vld [tilespmem:s18+$0xFFFFFFE0];
	s16 =	sor.u32 $0x4000, s14  }
0x32: {  	s31 =	sshrl.u32 s15, $0x2;
	s15 =	sadd.s32 $0x0, s16  }
0x33: {  	s17 =	simm.s32 $0x4;
	s18 =	sadd.s32 $0x40, s18;
	s14 =	sor.u32 $0x4000, s31;
	[tilespmem:s15+$0x1830 ss:$0x81] =	vst.msk $0xffff, v3  }
.LBB1_3:
0x34: {  	v3 =	vld [tilespmem:s18+$0x10];
	p1 =	sne.s32 s17, $0x1FC;
	[tilespmem:s15+$0x810 ss:$0x81] =	vst.msk $0xffff, v2;
	s19 =	smov.u32 s17;
	s17 =	sadd.s32 $0x4, s17  }
.Ltmp3:
0x35: {  	v2 =	vld [tilespmem:s18+$0xFFFFFFF0];
	[tilespmem:s15+$0x1020 ss:$0x81] =	vst.msk $0xffff, v0;
	(pc) =	sbr.rel @p1 .LBB1_3-.Ltmp3, $4  }
0x36: {  	v0 =	vld [tilespmem:s18+$0x0];
	[tilespmem:s15+$0x0 ss:$0x81] =	vst.msk $0xffff, v1  }
0x37: {  	s15 =	sshra.s32 s19, $0x2;
	v1 =	vld [tilespmem:s18+$0xFFFFFFE0]  }
0x38: {  	s15 =	sadd.s32 s15, s16  }
0x39: {  	s18 =	sadd.s32 $0x40, s18;
	[tilespmem:s15+$0x1830 ss:$0x81] =	vst.msk $0xffff, v3  }
.Ltmp4:
0x3a: {  	_ = 	snop;
	(pc) =	sbr.rel .LBB1_4-.Ltmp4, $1  }
0x3b: {  	_ =	sdelay $0x3  }
.LBB1_6:
0x3c: {  	_ =	sfence.sel $0x180000  }
0x3d: {  	s2 =	simm.s32 $0x1;
	[bflag:$0x0] =	sbarrier.arrive $0xFFFF  }
0x3e: {  	s31 =	simm.s32 $0x2;
	[sflag:s2] =	ssyncpa.u1 $0x1  }
0x3f: {  	[sflag:s31] =	ssyncpa.u1 $0x1  }
0x40: {  	p0 =	sne.s32 s0, $0x0;
	_ =	strace $0x9000004A  }
0x41: {  	s0 =	sadd.s32 @!p0 $0x100000, s1;
	[bflag:$0x2] =	sbarrier.arrive $0xFFFF  }
0x42: {  	[sflag:s0] =	ssyncadd.tile.s32 @!p0 $0x1;
	_ =	shalt  }
.Lfunc_end1:
_tile_overlayer_lowered:
.L_overlay_start_2:
0x43: {  	(tag) =	ssettag $0x2  }
0x44: {  	s0 =	rddreg [dreg:$0x0];
	s2 =	stileid.u32  }
0x45: {  	s1 =	rddreg [dreg:$0x1];
	p0 =	sne.s32 s2, $0x0  }
0x46: {  	s3 =	rddreg [dreg:$0x2];
	[bflag:$0x3] =	sbarrier.arrive $0xFFFF;
	s2 =	simm.s32 @!p0 $0x1C01  }
0x47: {  	[timem:s3], [sflag:s2] =	dma.local @!p0 [hbm:s0], s1  }
0x48: {  	s0 =	simm.s32 @!p0 $0x1  }
0x49: {  	_ =	swait.ge @!p0 [sflag:s0], s1  }
0x4a: {  	s1 =	ssub.s32 @!p0 $0x0, s1;
	[sflag:s0] =	ssyncset.done @!p0 $0x0  }
0x4b: {  	[sflag:s0] =	ssyncadd.s32 @!p0 s1  }
0x4c: {  	[bflag:$0x3] =	sbarrier.arrive $0xFFFF  }
0x4d: {  	_ =	shalt  }

</sc_bundles>
